<compile_context>
chip_gen: v7x
topology: tpu7x:2x2x1
jax: 0.10.2.dev20260603
libtpu: 0.0.44.dev20260713+nightly
codegen_flags: <defaults>
</compile_context>

<pallas_src>
import functools

import jax
import jax.numpy as jnp
from jax import lax
from jax.experimental import pallas as pl
from jax.experimental.pallas import tpu as pltpu
from jax.experimental.pallas import tpu_sc as plsc

NC = 2
NS = 16
NW = NC * NS
CH = 80
LANES = 16

SPAN = 640
N_PAD = SPAN * NS


def _sc_mesh():
  return plsc.VectorSubcoreMesh(core_axis_name="c", subcore_axis_name="s")


def _make_deg_kernel(cpw):

  @functools.partial(
      pl.kernel,
      out_type=jax.ShapeDtypeStruct((NC, N_PAD), jnp.float32),
      mesh=_sc_mesh(),
      scratch_types=[
          pltpu.VMEM((cpw, CH), jnp.int32),
          pltpu.VMEM((CH,), jnp.float32),
          pltpu.VMEM((CH,), jnp.float32),
          pltpu.VMEM_SHARED((N_PAD,), jnp.float32),
      ],
      compiler_params=pltpu.CompilerParams(use_tc_tiling_on_sc=False),
  )
  def deg_kernel(dst_hbm, out_hbm, dstv, onesv, zerov, acc):
    c = lax.axis_index("c")
    s = lax.axis_index("s")
    w = s * NC + c

    def fill(i, _):
      onesv[pl.ds(i * LANES, LANES)] = jnp.full((LANES,), 1.0, jnp.float32)
      zerov[pl.ds(i * LANES, LANES)] = jnp.zeros((LANES,), jnp.float32)
      return 0

    lax.fori_loop(0, CH // LANES, fill, 0)

    for k in range(SPAN // CH):
      pltpu.sync_copy(zerov, acc.at[pl.ds(s * SPAN + k * CH, CH)])
    plsc.subcore_barrier()

    pltpu.sync_copy(dst_hbm.at[w], dstv)

    def body(j, _):
      pltpu.sync_copy(onesv, acc.at[dstv.at[j]], add=True)
      return 0

    lax.fori_loop(0, cpw, body, 0)
    plsc.subcore_barrier()

    pltpu.sync_copy(acc.at[pl.ds(s * SPAN, SPAN)],
                    out_hbm.at[c, pl.ds(s * SPAN, SPAN)])

  return deg_kernel


def _make_prop_kernel(cpw, d):

  @functools.partial(
      pl.kernel,
      out_type=jax.ShapeDtypeStruct((NC, N_PAD, d), jnp.float32),
      mesh=_sc_mesh(),
      scratch_types=[
          pltpu.VMEM((cpw, CH), jnp.int32),
          pltpu.VMEM((cpw, CH), jnp.int32),
          pltpu.VMEM((CH, d), jnp.float32),
          pltpu.VMEM((CH, d), jnp.float32),
          pltpu.VMEM_SHARED((N_PAD, d), jnp.float32),
          pltpu.SemaphoreType.DMA,
          pltpu.SemaphoreType.DMA,
      ],
      compiler_params=pltpu.CompilerParams(use_tc_tiling_on_sc=False),
  )
  def prop_kernel(tab_hbm, src_hbm, dst_hbm, out_hbm, srcv, dstv, rows0,
                  rows1, acc, sem0, sem1):
    c = lax.axis_index("c")
    s = lax.axis_index("s")
    w = s * NC + c

    cols = d // LANES

    def fill(i, _):
      r = i // cols
      col = (i % cols) * LANES
      rows0[r, pl.ds(col, LANES)] = jnp.zeros((LANES,), jnp.float32)
      return 0

    lax.fori_loop(0, CH * cols, fill, 0)
    for k in range(SPAN // CH):
      pltpu.sync_copy(rows0, acc.at[pl.ds(s * SPAN + k * CH, CH)])
    plsc.subcore_barrier()

    pltpu.sync_copy(src_hbm.at[w], srcv)
    pltpu.sync_copy(dst_hbm.at[w], dstv)

    def body(j, _):
      pltpu.async_copy(tab_hbm.at[srcv.at[j]], rows0, sem0).wait()
      pltpu.sync_copy(rows0, acc.at[dstv.at[j]], add=True)
      return 0

    lax.fori_loop(0, cpw, body, 0)
    plsc.subcore_barrier()

    pltpu.sync_copy(acc.at[pl.ds(s * SPAN, SPAN)],
                    out_hbm.at[c, pl.ds(s * SPAN, SPAN)])

  return prop_kernel


def _row_spec(r, cols):
  return pl.BlockSpec((r, cols), lambda i: (i, 0))


def _full_spec(shape):
  return pl.BlockSpec(shape, lambda i: tuple(0 for _ in shape))


def _make_tc1(n, r, d_in, d_h):
  grid = n // r

  def body(x_ref, dega_ref, degb_ref, w1_ref, hs1_ref, dinv_ref):
    deg = dega_ref[...] + degb_ref[...] + 1.0
    dinv = 1.0 / jnp.sqrt(deg)
    h = jnp.dot(x_ref[...], w1_ref[...], preferred_element_type=jnp.float32)
    hs1_ref[...] = h * dinv
    dinv_ref[...] = dinv

  return pl.pallas_call(
      body,
      grid=(grid,),
      in_specs=[
          _row_spec(r, d_in),
          _row_spec(r, 1),
          _row_spec(r, 1),
          _full_spec((d_in, d_h)),
      ],
      out_specs=[_row_spec(r, d_h), _row_spec(r, 1)],
      out_shape=[
          jax.ShapeDtypeStruct((n, d_h), jnp.float32),
          jax.ShapeDtypeStruct((n, 1), jnp.float32),
      ],
  )


def _make_tc2(n, r, d_h, d_z):
  grid = n // r

  def body(aa_ref, ab_ref, hs1_ref, dinv_ref, b1_ref, w2_ref, hs2_ref):
    dinv = dinv_ref[...]
    h = dinv * (aa_ref[0] + ab_ref[0] + hs1_ref[...]) + b1_ref[...]
    h = jnp.maximum(h, 0.0)
    hs2_ref[...] = dinv * jnp.dot(
        h, w2_ref[...], preferred_element_type=jnp.float32)

  return pl.pallas_call(
      body,
      grid=(grid,),
      in_specs=[
          pl.BlockSpec((1, r, d_h), lambda i: (0, i, 0)),
          pl.BlockSpec((1, r, d_h), lambda i: (1, i, 0)),
          _row_spec(r, d_h),
          _row_spec(r, 1),
          _full_spec((1, d_h)),
          _full_spec((d_h, d_z)),
      ],
      out_specs=[_row_spec(r, d_z)],
      out_shape=[jax.ShapeDtypeStruct((n, d_z), jnp.float32)],
  )


def _make_tc3(n, r, d_z, d_h, d_in):
  grid = n // r

  def body(aa_ref, ab_ref, hs2_ref, dinv_ref, b2_ref, w3_ref, b3_ref, w4_ref,
           b4_ref, xhat_ref, z_ref):
    dinv = dinv_ref[...]
    z = dinv * (aa_ref[0] + ab_ref[0] + hs2_ref[...]) + b2_ref[...]
    z = jnp.maximum(z, 0.0)
    dd = jnp.dot(z, w3_ref[...], preferred_element_type=jnp.float32)
    dd = jnp.maximum(dd + b3_ref[...], 0.0)
    xhat_ref[...] = jnp.dot(
        dd, w4_ref[...], preferred_element_type=jnp.float32) + b4_ref[...]
    z_ref[...] = z

  return pl.pallas_call(
      body,
      grid=(grid,),
      in_specs=[
          pl.BlockSpec((1, r, d_z), lambda i: (0, i, 0)),
          pl.BlockSpec((1, r, d_z), lambda i: (1, i, 0)),
          _row_spec(r, d_z),
          _row_spec(r, 1),
          _full_spec((1, d_z)),
          _full_spec((d_z, d_h)),
          _full_spec((1, d_h)),
          _full_spec((d_h, d_in)),
          _full_spec((1, d_in)),
      ],
      out_specs=[_row_spec(r, d_in), _row_spec(r, d_z)],
      out_shape=[
          jax.ShapeDtypeStruct((n, d_in), jnp.float32),
          jax.ShapeDtypeStruct((n, d_z), jnp.float32),
      ],
  )


@jax.jit
def kernel(x, edge_index, W1, b1, W2, b2, W3, b3, W4, b4):
  n, d_in = x.shape
  d_h = W1.shape[1]
  d_z = W2.shape[1]
  e = edge_index.shape[1]
  assert n + 1 <= N_PAD

  assert e % (NW * CH) == 0
  cpw = e // (NW * CH)
  src3 = edge_index[0].reshape(NW, cpw, CH)
  dst3 = edge_index[1].reshape(NW, cpw, CH)

  deg_parts = _make_deg_kernel(cpw)(dst3)
  dega = deg_parts[0, :n].reshape(n, 1)
  degb = deg_parts[1, :n].reshape(n, 1)

  r = 2000
  hs1, dinv = _make_tc1(n, r, d_in, d_h)(x, dega, degb, W1)

  acc1 = _make_prop_kernel(cpw, d_h)(hs1, src3, dst3)
  hs2, = _make_tc2(n, r, d_h, d_z)(
      acc1, acc1, hs1, dinv, b1.reshape(1, d_h), W2)

  acc2 = _make_prop_kernel(cpw, d_z)(hs2, src3, dst3)
  x_hat, z = _make_tc3(n, r, d_z, d_h, d_in)(
      acc2, acc2, hs2, dinv, b2.reshape(1, d_z), W3,
      b3.reshape(1, d_h), W4, b4.reshape(1, d_in))

  return (x_hat, z)

# --- scband reference (transcript-rebuilt; emitter-appended) ---
"""Pipeline reference for scband-dominant-autoencoder-72756745994498 (READ-ONLY COPY).

The authoritative reference and input builder live on the scoring server;
editing this copy changes nothing except your own understanding.
"""

import jax, jax.numpy as jnp
import numpy as np

N = 10000
E = 320000
D_IN = 128
D_H = 64
D_Z = 32


def setup_inputs(seed: int = 0) -> dict:
    key = jax.random.key(seed)
    ks = jax.random.split(key, 12)
    x = jax.random.normal(ks[0], (N, D_IN), dtype=jnp.float32)
    edge_index = jax.random.randint(ks[1], (2, E), 0, N, dtype=jnp.int32)
    W1 = jax.random.normal(ks[2], (D_IN, D_H), dtype=jnp.float32) * (1.0 / np.sqrt(D_IN))
    b1 = jnp.zeros((D_H,), dtype=jnp.float32)
    W2 = jax.random.normal(ks[3], (D_H, D_Z), dtype=jnp.float32) * (1.0 / np.sqrt(D_H))
    b2 = jnp.zeros((D_Z,), dtype=jnp.float32)
    W3 = jax.random.normal(ks[4], (D_Z, D_H), dtype=jnp.float32) * (1.0 / np.sqrt(D_Z))
    b3 = jnp.zeros((D_H,), dtype=jnp.float32)
    W4 = jax.random.normal(ks[5], (D_H, D_IN), dtype=jnp.float32) * (1.0 / np.sqrt(D_H))
    b4 = jnp.zeros((D_IN,), dtype=jnp.float32)
    return {"x": x, "edge_index": edge_index, "W1": W1, "b1": b1, "W2": W2, "b2": b2, "W3": W3, "b3": b3, "W4": W4, "b4": b4}


def _gcn_layer(x, edge_index, W, b):
    # GCNConv with self-loops and symmetric normalization D^{-1/2} A_hat D^{-1/2}
    n = x.shape[0]
    loop = jnp.arange(n, dtype=edge_index.dtype)
    src = jnp.concatenate([edge_index[0], loop])
    dst = jnp.concatenate([edge_index[1], loop])
    deg = jnp.zeros((n,), dtype=jnp.float32).at[dst].add(1.0)
    dinv = jnp.where(deg > 0, 1.0 / jnp.sqrt(deg), 0.0)
    norm = dinv[src] * dinv[dst]
    h = x @ W
    msg = h[src] * norm[:, None]
    out = jnp.zeros((n, W.shape[1]), dtype=jnp.float32).at[dst].add(msg)
    return out + b


def reference(x, edge_index, W1, b1, W2, b2, W3, b3, W4, b4):
    # GCNEncoder: two GCN layers with ReLU
    h = jax.nn.relu(_gcn_layer(x, edge_index, W1, b1))
    z = jax.nn.relu(_gcn_layer(h, edge_index, W2, b2))
    # Decoder: MLP latent -> hidden -> input
    d = jax.nn.relu(z @ W3 + b3)
    x_hat = d @ W4 + b4
    return (x_hat, z)

if __name__ == "__main__":
    import jax
    _d = setup_inputs()
    print(jax.jit(kernel)(*tuple(_d.values())))

</pallas_src>

<mosaic_0001>
#map = affine_map<(d0, d1) -> (0, 0, 0)>
#map1 = affine_map<(d0, d1) -> (0, 0)>
module attributes {stable_mosaic.version = 14 : i64} {
  func.func @deg_kernel(%arg0: i32, %arg1: i32, %arg2: memref<32x125x80xi32, #tpu.memory_space<hbm>>, %arg3: memref<2x10240xf32, #tpu.memory_space<hbm>>, %arg4: memref<125x80xi32, #tpu.memory_space<vmem>>, %arg5: memref<80xf32, #tpu.memory_space<vmem>>, %arg6: memref<80xf32, #tpu.memory_space<vmem>>, %arg7: memref<10240xf32, #tpu.memory_space<vmem_shared>>) attributes {dimension_semantics = [#tpu.dimension_semantics<core_parallel>, #tpu.dimension_semantics<subcore_parallel>], iteration_bounds = array<i64: 2, 16>, scalar_prefetch = 0 : i64, scratch_operands = 4 : i64, tpu.core_type = #tpu.core_type<sc_vector_subcore>, window_params = [{transform_indices = #map}, {transform_indices = #map1}]} {
    %mul3A = arith.constant 2 : i32
    %mul3A_0 = arith.muli %arg1, %mul3A : i32
    %add3A = arith.addi %mul3A_0, %arg0 : i32
    %scan3A = arith.constant 0 : i32
    %scan3A_1 = arith.constant 0 : i32
    %scan3A_2 = arith.constant 5 : i32
    %scan3A_3 = arith.addi %scan3A_1, %scan3A_2 : i32
    %scan3A_4 = arith.constant 1 : i32
    %scan3A_5 = scf.for %scan3A_51 = %scan3A_1 to %scan3A_3 step %scan3A_4 iter_args(%scan3A_52 = %scan3A) -> (i32)  : i32 {
      %broadcast_in_dim3A = arith.constant 1.000000e+00 : f32
      %broadcast_in_dim3A_53 = vector.broadcast %broadcast_in_dim3A : f32 to vector<16xf32>
      %mul3A_54 = arith.constant 16 : i32
      %mul3A_55 = arith.muli %scan3A_51, %mul3A_54 : i32
      %swap3A = arith.index_cast %mul3A_55 : i32 to index
      %swap3A_56 = tpu.vector_load %arg5[%swap3A] {strides = array<i32>} : memref<80xf32, #tpu.memory_space<vmem>>, vector<16xf32>,
      %swap3A_57 = vector.shape_cast %swap3A_56 : vector<16xf32> to vector<16xf32>
      %swap3A_58 = vector.shape_cast %broadcast_in_dim3A_53 : vector<16xf32> to vector<16xf32>
      tpu.vector_store %arg5[%swap3A], %swap3A_58 {strides = array<i32>} : memref<80xf32, #tpu.memory_space<vmem>>, vector<16xf32>,
      %broadcast_in_dim3A_59 = arith.constant 0.000000e+00 : f32
      %broadcast_in_dim3A_60 = vector.broadcast %broadcast_in_dim3A_59 : f32 to vector<16xf32>
      %mul3A_61 = arith.constant 16 : i32
      %mul3A_62 = arith.muli %scan3A_51, %mul3A_61 : i32
      %swap3A_63 = arith.index_cast %mul3A_62 : i32 to index
      %swap3A_64 = tpu.vector_load %arg6[%swap3A_63] {strides = array<i32>} : memref<80xf32, #tpu.memory_space<vmem>>, vector<16xf32>,
      %swap3A_65 = vector.shape_cast %swap3A_64 : vector<16xf32> to vector<16xf32>
      %swap3A_66 = vector.shape_cast %broadcast_in_dim3A_60 : vector<16xf32> to vector<16xf32>
      tpu.vector_store %arg6[%swap3A_63], %swap3A_66 {strides = array<i32>} : memref<80xf32, #tpu.memory_space<vmem>>, vector<16xf32>,
      %scan3A_67 = arith.constant 0 : i32
      scf.yield %scan3A_67 : i32
    }
    %scan3A_6 = arith.constant 5 : i32
    %mul3A_7 = arith.constant 640 : i32
    %mul3A_8 = arith.muli %arg1, %mul3A_7 : i32
    %add3A_9 = arith.constant 0 : i32
    %add3A_10 = arith.addi %mul3A_8, %add3A_9 : i32
    "tpu.region"() ({
      %run_scoped3A = tpu.sem_alloc : memref<!tpu.dma_semaphore, #tpu.memory_space<semaphore_mem>>
      %dma_start3A = tpu.memref_slice %arg7[%add3A_10] : memref<10240xf32, #tpu.memory_space<vmem_shared>> -> memref<80xf32, #tpu.memory_space<vmem_shared>>
      %dma_start3A_51 = tpu.memref_slice %arg7[%add3A_10] : memref<10240xf32, #tpu.memory_space<vmem_shared>> -> memref<80xf32, #tpu.memory_space<vmem_shared>>
      tpu.enqueue_dma source(%arg6 : memref<80xf32, #tpu.memory_space<vmem>>) target(%dma_start3A_51 : memref<80xf32, #tpu.memory_space<vmem_shared>>) target_semaphore(%run_scoped3A : memref<!tpu.dma_semaphore, #tpu.memory_space<semaphore_mem>>)
      %dma_wait3A = tpu.memref_slice %arg7[%add3A_10] : memref<10240xf32, #tpu.memory_space<vmem_shared>> -> memref<80xf32, #tpu.memory_space<vmem_shared>>
      %dma_wait3A_52 = tpu.memref_slice %arg7[%add3A_10] : memref<10240xf32, #tpu.memory_space<vmem_shared>> -> memref<80xf32, #tpu.memory_space<vmem_shared>>
      tpu.wait_dma2 semaphore(%run_scoped3A : memref<!tpu.dma_semaphore, #tpu.memory_space<semaphore_mem>>) src(%arg6 : memref<80xf32, #tpu.memory_space<vmem>>) dst(%dma_wait3A_52 : memref<80xf32, #tpu.memory_space<vmem_shared>>)
      tpu.yield
    }) : () -> ()
    %mul3A_11 = arith.constant 640 : i32
    %mul3A_12 = arith.muli %arg1, %mul3A_11 : i32
    %add3A_13 = arith.constant 80 : i32
    %add3A_14 = arith.addi %mul3A_12, %add3A_13 : i32
    "tpu.region"() ({
      %run_scoped3A = tpu.sem_alloc : memref<!tpu.dma_semaphore, #tpu.memory_space<semaphore_mem>>
      %dma_start3A = tpu.memref_slice %arg7[%add3A_14] : memref<10240xf32, #tpu.memory_space<vmem_shared>> -> memref<80xf32, #tpu.memory_space<vmem_shared>>
      %dma_start3A_51 = tpu.memref_slice %arg7[%add3A_14] : memref<10240xf32, #tpu.memory_space<vmem_shared>> -> memref<80xf32, #tpu.memory_space<vmem_shared>>
      tpu.enqueue_dma source(%arg6 : memref<80xf32, #tpu.memory_space<vmem>>) target(%dma_start3A_51 : memref<80xf32, #tpu.memory_space<vmem_shared>>) target_semaphore(%run_scoped3A : memref<!tpu.dma_semaphore, #tpu.memory_space<semaphore_mem>>)
      %dma_wait3A = tpu.memref_slice %arg7[%add3A_14] : memref<10240xf32, #tpu.memory_space<vmem_shared>> -> memref<80xf32, #tpu.memory_space<vmem_shared>>
      %dma_wait3A_52 = tpu.memref_slice %arg7[%add3A_14] : memref<10240xf32, #tpu.memory_space<vmem_shared>> -> memref<80xf32, #tpu.memory_space<vmem_shared>>
      tpu.wait_dma2 semaphore(%run_scoped3A : memref<!tpu.dma_semaphore, #tpu.memory_space<semaphore_mem>>) src(%arg6 : memref<80xf32, #tpu.memory_space<vmem>>) dst(%dma_wait3A_52 : memref<80xf32, #tpu.memory_space<vmem_shared>>)
      tpu.yield
    }) : () -> ()
    %mul3A_15 = arith.constant 640 : i32
    %mul3A_16 = arith.muli %arg1, %mul3A_15 : i32
    %add3A_17 = arith.constant 160 : i32
    %add3A_18 = arith.addi %mul3A_16, %add3A_17 : i32
    "tpu.region"() ({
      %run_scoped3A = tpu.sem_alloc : memref<!tpu.dma_semaphore, #tpu.memory_space<semaphore_mem>>
      %dma_start3A = tpu.memref_slice %arg7[%add3A_18] : memref<10240xf32, #tpu.memory_space<vmem_shared>> -> memref<80xf32, #tpu.memory_space<vmem_shared>>
      %dma_start3A_51 = tpu.memref_slice %arg7[%add3A_18] : memref<10240xf32, #tpu.memory_space<vmem_shared>> -> memref<80xf32, #tpu.memory_space<vmem_shared>>
      tpu.enqueue_dma source(%arg6 : memref<80xf32, #tpu.memory_space<vmem>>) target(%dma_start3A_51 : memref<80xf32, #tpu.memory_space<vmem_shared>>) target_semaphore(%run_scoped3A : memref<!tpu.dma_semaphore, #tpu.memory_space<semaphore_mem>>)
      %dma_wait3A = tpu.memref_slice %arg7[%add3A_18] : memref<10240xf32, #tpu.memory_space<vmem_shared>> -> memref<80xf32, #tpu.memory_space<vmem_shared>>
      %dma_wait3A_52 = tpu.memref_slice %arg7[%add3A_18] : memref<10240xf32, #tpu.memory_space<vmem_shared>> -> memref<80xf32, #tpu.memory_space<vmem_shared>>
      tpu.wait_dma2 semaphore(%run_scoped3A : memref<!tpu.dma_semaphore, #tpu.memory_space<semaphore_mem>>) src(%arg6 : memref<80xf32, #tpu.memory_space<vmem>>) dst(%dma_wait3A_52 : memref<80xf32, #tpu.memory_space<vmem_shared>>)
      tpu.yield
    }) : () -> ()
    %mul3A_19 = arith.constant 640 : i32
    %mul3A_20 = arith.muli %arg1, %mul3A_19 : i32
    %add3A_21 = arith.constant 240 : i32
    %add3A_22 = arith.addi %mul3A_20, %add3A_21 : i32
    "tpu.region"() ({
      %run_scoped3A = tpu.sem_alloc : memref<!tpu.dma_semaphore, #tpu.memory_space<semaphore_mem>>
      %dma_start3A = tpu.memref_slice %arg7[%add3A_22] : memref<10240xf32, #tpu.memory_space<vmem_shared>> -> memref<80xf32, #tpu.memory_space<vmem_shared>>
      %dma_start3A_51 = tpu.memref_slice %arg7[%add3A_22] : memref<10240xf32, #tpu.memory_space<vmem_shared>> -> memref<80xf32, #tpu.memory_space<vmem_shared>>
      tpu.enqueue_dma source(%arg6 : memref<80xf32, #tpu.memory_space<vmem>>) target(%dma_start3A_51 : memref<80xf32, #tpu.memory_space<vmem_shared>>) target_semaphore(%run_scoped3A : memref<!tpu.dma_semaphore, #tpu.memory_space<semaphore_mem>>)
      %dma_wait3A = tpu.memref_slice %arg7[%add3A_22] : memref<10240xf32, #tpu.memory_space<vmem_shared>> -> memref<80xf32, #tpu.memory_space<vmem_shared>>
      %dma_wait3A_52 = tpu.memref_slice %arg7[%add3A_22] : memref<10240xf32, #tpu.memory_space<vmem_shared>> -> memref<80xf32, #tpu.memory_space<vmem_shared>>
      tpu.wait_dma2 semaphore(%run_scoped3A : memref<!tpu.dma_semaphore, #tpu.memory_space<semaphore_mem>>) src(%arg6 : memref<80xf32, #tpu.memory_space<vmem>>) dst(%dma_wait3A_52 : memref<80xf32, #tpu.memory_space<vmem_shared>>)
      tpu.yield
    }) : () -> ()
    %mul3A_23 = arith.constant 640 : i32
    %mul3A_24 = arith.muli %arg1, %mul3A_23 : i32
    %add3A_25 = arith.constant 320 : i32
    %add3A_26 = arith.addi %mul3A_24, %add3A_25 : i32
    "tpu.region"() ({
      %run_scoped3A = tpu.sem_alloc : memref<!tpu.dma_semaphore, #tpu.memory_space<semaphore_mem>>
      %dma_start3A = tpu.memref_slice %arg7[%add3A_26] : memref<10240xf32, #tpu.memory_space<vmem_shared>> -> memref<80xf32, #tpu.memory_space<vmem_shared>>
      %dma_start3A_51 = tpu.memref_slice %arg7[%add3A_26] : memref<10240xf32, #tpu.memory_space<vmem_shared>> -> memref<80xf32, #tpu.memory_space<vmem_shared>>
      tpu.enqueue_dma source(%arg6 : memref<80xf32, #tpu.memory_space<vmem>>) target(%dma_start3A_51 : memref<80xf32, #tpu.memory_space<vmem_shared>>) target_semaphore(%run_scoped3A : memref<!tpu.dma_semaphore, #tpu.memory_space<semaphore_mem>>)
      %dma_wait3A = tpu.memref_slice %arg7[%add3A_26] : memref<10240xf32, #tpu.memory_space<vmem_shared>> -> memref<80xf32, #tpu.memory_space<vmem_shared>>
      %dma_wait3A_52 = tpu.memref_slice %arg7[%add3A_26] : memref<10240xf32, #tpu.memory_space<vmem_shared>> -> memref<80xf32, #tpu.memory_space<vmem_shared>>
      tpu.wait_dma2 semaphore(%run_scoped3A : memref<!tpu.dma_semaphore, #tpu.memory_space<semaphore_mem>>) src(%arg6 : memref<80xf32, #tpu.memory_space<vmem>>) dst(%dma_wait3A_52 : memref<80xf32, #tpu.memory_space<vmem_shared>>)
      tpu.yield
    }) : () -> ()
    %mul3A_27 = arith.constant 640 : i32
    %mul3A_28 = arith.muli %arg1, %mul3A_27 : i32
    %add3A_29 = arith.constant 400 : i32
    %add3A_30 = arith.addi %mul3A_28, %add3A_29 : i32
    "tpu.region"() ({
      %run_scoped3A = tpu.sem_alloc : memref<!tpu.dma_semaphore, #tpu.memory_space<semaphore_mem>>
      %dma_start3A = tpu.memref_slice %arg7[%add3A_30] : memref<10240xf32, #tpu.memory_space<vmem_shared>> -> memref<80xf32, #tpu.memory_space<vmem_shared>>
      %dma_start3A_51 = tpu.memref_slice %arg7[%add3A_30] : memref<10240xf32, #tpu.memory_space<vmem_shared>> -> memref<80xf32, #tpu.memory_space<vmem_shared>>
      tpu.enqueue_dma source(%arg6 : memref<80xf32, #tpu.memory_space<vmem>>) target(%dma_start3A_51 : memref<80xf32, #tpu.memory_space<vmem_shared>>) target_semaphore(%run_scoped3A : memref<!tpu.dma_semaphore, #tpu.memory_space<semaphore_mem>>)
      %dma_wait3A = tpu.memref_slice %arg7[%add3A_30] : memref<10240xf32, #tpu.memory_space<vmem_shared>> -> memref<80xf32, #tpu.memory_space<vmem_shared>>
      %dma_wait3A_52 = tpu.memref_slice %arg7[%add3A_30] : memref<10240xf32, #tpu.memory_space<vmem_shared>> -> memref<80xf32, #tpu.memory_space<vmem_shared>>
      tpu.wait_dma2 semaphore(%run_scoped3A : memref<!tpu.dma_semaphore, #tpu.memory_space<semaphore_mem>>) src(%arg6 : memref<80xf32, #tpu.memory_space<vmem>>) dst(%dma_wait3A_52 : memref<80xf32, #tpu.memory_space<vmem_shared>>)
      tpu.yield
    }) : () -> ()
    %mul3A_31 = arith.constant 640 : i32
    %mul3A_32 = arith.muli %arg1, %mul3A_31 : i32
    %add3A_33 = arith.constant 480 : i32
    %add3A_34 = arith.addi %mul3A_32, %add3A_33 : i32
    "tpu.region"() ({
      %run_scoped3A = tpu.sem_alloc : memref<!tpu.dma_semaphore, #tpu.memory_space<semaphore_mem>>
      %dma_start3A = tpu.memref_slice %arg7[%add3A_34] : memref<10240xf32, #tpu.memory_space<vmem_shared>> -> memref<80xf32, #tpu.memory_space<vmem_shared>>
      %dma_start3A_51 = tpu.memref_slice %arg7[%add3A_34] : memref<10240xf32, #tpu.memory_space<vmem_shared>> -> memref<80xf32, #tpu.memory_space<vmem_shared>>
      tpu.enqueue_dma source(%arg6 : memref<80xf32, #tpu.memory_space<vmem>>) target(%dma_start3A_51 : memref<80xf32, #tpu.memory_space<vmem_shared>>) target_semaphore(%run_scoped3A : memref<!tpu.dma_semaphore, #tpu.memory_space<semaphore_mem>>)
      %dma_wait3A = tpu.memref_slice %arg7[%add3A_34] : memref<10240xf32, #tpu.memory_space<vmem_shared>> -> memref<80xf32, #tpu.memory_space<vmem_shared>>
      %dma_wait3A_52 = tpu.memref_slice %arg7[%add3A_34] : memref<10240xf32, #tpu.memory_space<vmem_shared>> -> memref<80xf32, #tpu.memory_space<vmem_shared>>
      tpu.wait_dma2 semaphore(%run_scoped3A : memref<!tpu.dma_semaphore, #tpu.memory_space<semaphore_mem>>) src(%arg6 : memref<80xf32, #tpu.memory_space<vmem>>) dst(%dma_wait3A_52 : memref<80xf32, #tpu.memory_space<vmem_shared>>)
      tpu.yield
    }) : () -> ()
    %mul3A_35 = arith.constant 640 : i32
    %mul3A_36 = arith.muli %arg1, %mul3A_35 : i32
    %add3A_37 = arith.constant 560 : i32
    %add3A_38 = arith.addi %mul3A_36, %add3A_37 : i32
    "tpu.region"() ({
      %run_scoped3A = tpu.sem_alloc : memref<!tpu.dma_semaphore, #tpu.memory_space<semaphore_mem>>
      %dma_start3A = tpu.memref_slice %arg7[%add3A_38] : memref<10240xf32, #tpu.memory_space<vmem_shared>> -> memref<80xf32, #tpu.memory_space<vmem_shared>>
      %dma_start3A_51 = tpu.memref_slice %arg7[%add3A_38] : memref<10240xf32, #tpu.memory_space<vmem_shared>> -> memref<80xf32, #tpu.memory_space<vmem_shared>>
      tpu.enqueue_dma source(%arg6 : memref<80xf32, #tpu.memory_space<vmem>>) target(%dma_start3A_51 : memref<80xf32, #tpu.memory_space<vmem_shared>>) target_semaphore(%run_scoped3A : memref<!tpu.dma_semaphore, #tpu.memory_space<semaphore_mem>>)
      %dma_wait3A = tpu.memref_slice %arg7[%add3A_38] : memref<10240xf32, #tpu.memory_space<vmem_shared>> -> memref<80xf32, #tpu.memory_space<vmem_shared>>
      %dma_wait3A_52 = tpu.memref_slice %arg7[%add3A_38] : memref<10240xf32, #tpu.memory_space<vmem_shared>> -> memref<80xf32, #tpu.memory_space<vmem_shared>>
      tpu.wait_dma2 semaphore(%run_scoped3A : memref<!tpu.dma_semaphore, #tpu.memory_space<semaphore_mem>>) src(%arg6 : memref<80xf32, #tpu.memory_space<vmem>>) dst(%dma_wait3A_52 : memref<80xf32, #tpu.memory_space<vmem_shared>>)
      tpu.yield
    }) : () -> ()
    %barrier3A = arith.constant 0 : index
    tpu.barrier barrier_id(%barrier3A)
    "tpu.region"() ({
      %run_scoped3A = tpu.sem_alloc : memref<!tpu.dma_semaphore, #tpu.memory_space<semaphore_mem>>
      %dma_start3A = arith.constant 0 : i32
      %dma_start3A_51 = arith.constant 0 : i32
      %dma_start3A_52 = tpu.memref_slice %arg2[%add3A, %dma_start3A, %dma_start3A_51] : memref<32x125x80xi32, #tpu.memory_space<hbm>> -> memref<1x125x80xi32, #tpu.memory_space<hbm>>
      %dma_start3A_53 = tpu.memref_squeeze %dma_start3A_52 : memref<1x125x80xi32, #tpu.memory_space<hbm>> -> memref<125x80xi32, #tpu.memory_space<hbm>>
      %dma_start3A_54 = arith.constant 0 : i32
      %dma_start3A_55 = arith.constant 0 : i32
      %dma_start3A_56 = tpu.memref_slice %arg2[%add3A, %dma_start3A_54, %dma_start3A_55] : memref<32x125x80xi32, #tpu.memory_space<hbm>> -> memref<1x125x80xi32, #tpu.memory_space<hbm>>
      %dma_start3A_57 = tpu.memref_squeeze %dma_start3A_56 : memref<1x125x80xi32, #tpu.memory_space<hbm>> -> memref<125x80xi32, #tpu.memory_space<hbm>>
      tpu.enqueue_dma source(%dma_start3A_57 : memref<125x80xi32, #tpu.memory_space<hbm>>) target(%arg4 : memref<125x80xi32, #tpu.memory_space<vmem>>) target_semaphore(%run_scoped3A : memref<!tpu.dma_semaphore, #tpu.memory_space<semaphore_mem>>)
      %dma_wait3A = arith.constant 0 : i32
      %dma_wait3A_58 = arith.constant 0 : i32
      %dma_wait3A_59 = tpu.memref_slice %arg2[%add3A, %dma_wait3A, %dma_wait3A_58] : memref<32x125x80xi32, #tpu.memory_space<hbm>> -> memref<1x125x80xi32, #tpu.memory_space<hbm>>
      %dma_wait3A_60 = tpu.memref_squeeze %dma_wait3A_59 : memref<1x125x80xi32, #tpu.memory_space<hbm>> -> memref<125x80xi32, #tpu.memory_space<hbm>>
      %dma_wait3A_61 = arith.constant 0 : i32
      %dma_wait3A_62 = arith.constant 0 : i32
      %dma_wait3A_63 = tpu.memref_slice %arg2[%add3A, %dma_wait3A_61, %dma_wait3A_62] : memref<32x125x80xi32, #tpu.memory_space<hbm>> -> memref<1x125x80xi32, #tpu.memory_space<hbm>>
      %dma_wait3A_64 = tpu.memref_squeeze %dma_wait3A_63 : memref<1x125x80xi32, #tpu.memory_space<hbm>> -> memref<125x80xi32, #tpu.memory_space<hbm>>
      tpu.wait_dma2 semaphore(%run_scoped3A : memref<!tpu.dma_semaphore, #tpu.memory_space<semaphore_mem>>) src(%dma_wait3A_64 : memref<125x80xi32, #tpu.memory_space<hbm>>) dst(%arg4 : memref<125x80xi32, #tpu.memory_space<vmem>>)
      tpu.yield
    }) : () -> ()
    %scan3A_39 = arith.constant 0 : i32
    %scan3A_40 = arith.constant 0 : i32
    %scan3A_41 = arith.constant 125 : i32
    %scan3A_42 = arith.addi %scan3A_40, %scan3A_41 : i32
    %scan3A_43 = arith.constant 1 : i32
    %scan3A_44 = scf.for %scan3A_51 = %scan3A_40 to %scan3A_42 step %scan3A_43 iter_args(%scan3A_52 = %scan3A_39) -> (i32)  : i32 {
      "tpu.region"() ({
        %run_scoped3A = tpu.sem_alloc : memref<!tpu.dma_semaphore, #tpu.memory_space<semaphore_mem>>
        %dma_start3A = arith.constant 0 : i32
        %dma_start3A_54 = tpu.memref_slice %arg4[%scan3A_51, %dma_start3A] : memref<125x80xi32, #tpu.memory_space<vmem>> -> memref<1x80xi32, #tpu.memory_space<vmem>>
        %dma_start3A_55 = tpu.memref_squeeze %dma_start3A_54 : memref<1x80xi32, #tpu.memory_space<vmem>> -> memref<80xi32, #tpu.memory_space<vmem>>
        %dma_start3A_56 = arith.constant 0 : i32
        %dma_start3A_57 = tpu.memref_slice %arg7[%dma_start3A_56] : memref<10240xf32, #tpu.memory_space<vmem_shared>> -> memref<10240xf32, #tpu.memory_space<vmem_shared>>
        tpu.enqueue_indirect_dma source(%arg5 : memref<80xf32, #tpu.memory_space<vmem>>) target(%dma_start3A_57 : memref<10240xf32, #tpu.memory_space<vmem_shared>>) offsets(%dma_start3A_55 : memref<80xi32, #tpu.memory_space<vmem>>) semaphore(%run_scoped3A : memref<!tpu.dma_semaphore, #tpu.memory_space<semaphore_mem>>) {add = true}
        %dma_wait3A = arith.constant 0 : i32
        %dma_wait3A_58 = tpu.memref_slice %arg4[%scan3A_51, %dma_wait3A] : memref<125x80xi32, #tpu.memory_space<vmem>> -> memref<1x80xi32, #tpu.memory_space<vmem>>
        %dma_wait3A_59 = tpu.memref_squeeze %dma_wait3A_58 : memref<1x80xi32, #tpu.memory_space<vmem>> -> memref<80xi32, #tpu.memory_space<vmem>>
        %dma_wait3A_60 = arith.constant 0 : i32
        %dma_wait3A_61 = tpu.memref_slice %arg7[%dma_wait3A_60] : memref<10240xf32, #tpu.memory_space<vmem_shared>> -> memref<10240xf32, #tpu.memory_space<vmem_shared>>
        tpu.wait_indirect_dma semaphore(%run_scoped3A : memref<!tpu.dma_semaphore, #tpu.memory_space<semaphore_mem>>) src(%arg5 : memref<80xf32, #tpu.memory_space<vmem>>) dst(%dma_wait3A_61 : memref<10240xf32, #tpu.memory_space<vmem_shared>>)
        tpu.yield
      }) : () -> ()
      %scan3A_53 = arith.constant 0 : i32
      scf.yield %scan3A_53 : i32
    }
    %scan3A_45 = arith.constant 125 : i32
    %barrier3A_46 = arith.constant 0 : index
    tpu.barrier barrier_id(%barrier3A_46)
    %mul3A_47 = arith.constant 640 : i32
    %mul3A_48 = arith.muli %arg1, %mul3A_47 : i32
    %mul3A_49 = arith.constant 640 : i32
    %mul3A_50 = arith.muli %arg1, %mul3A_49 : i32
    "tpu.region"() ({
      %run_scoped3A = tpu.sem_alloc : memref<!tpu.dma_semaphore, #tpu.memory_space<semaphore_mem>>
      %dma_start3A = tpu.memref_slice %arg3[%arg0, %mul3A_50] : memref<2x10240xf32, #tpu.memory_space<hbm>> -> memref<1x640xf32, #tpu.memory_space<hbm>>
      %dma_start3A_51 = tpu.memref_squeeze %dma_start3A : memref<1x640xf32, #tpu.memory_space<hbm>> -> memref<640xf32, #tpu.memory_space<hbm>>
      %dma_start3A_52 = tpu.memref_slice %arg7[%mul3A_48] : memref<10240xf32, #tpu.memory_space<vmem_shared>> -> memref<640xf32, #tpu.memory_space<vmem_shared>>
      tpu.enqueue_dma source(%dma_start3A_52 : memref<640xf32, #tpu.memory_space<vmem_shared>>) target(%dma_start3A_51 : memref<640xf32, #tpu.memory_space<hbm>>) target_semaphore(%run_scoped3A : memref<!tpu.dma_semaphore, #tpu.memory_space<semaphore_mem>>)
      %dma_wait3A = tpu.memref_slice %arg3[%arg0, %mul3A_50] : memref<2x10240xf32, #tpu.memory_space<hbm>> -> memref<1x640xf32, #tpu.memory_space<hbm>>
      %dma_wait3A_53 = tpu.memref_squeeze %dma_wait3A : memref<1x640xf32, #tpu.memory_space<hbm>> -> memref<640xf32, #tpu.memory_space<hbm>>
      %dma_wait3A_54 = tpu.memref_slice %arg7[%mul3A_48] : memref<10240xf32, #tpu.memory_space<vmem_shared>> -> memref<640xf32, #tpu.memory_space<vmem_shared>>
      tpu.wait_dma2 semaphore(%run_scoped3A : memref<!tpu.dma_semaphore, #tpu.memory_space<semaphore_mem>>) src(%dma_wait3A_54 : memref<640xf32, #tpu.memory_space<vmem_shared>>) dst(%dma_wait3A_53 : memref<640xf32, #tpu.memory_space<hbm>>)
      tpu.yield
    }) : () -> ()
    return
  }
}

#map = affine_map<(d0, d1) -> (0, 0)>
#map1 = affine_map<(d0, d1) -> (0, 0, 0)>
module attributes {stable_mosaic.version = 14 : i64} {
  func.func @prop_kernel(%arg0: i32, %arg1: i32, %arg2: memref<10000x32xf32, #tpu.memory_space<hbm>>, %arg3: memref<32x125x80xi32, #tpu.memory_space<hbm>>, %arg4: memref<32x125x80xi32, #tpu.memory_space<hbm>>, %arg5: memref<2x10240x32xf32, #tpu.memory_space<hbm>>, %arg6: memref<125x80xi32, #tpu.memory_space<vmem>>, %arg7: memref<125x80xi32, #tpu.memory_space<vmem>>, %arg8: memref<80x32xf32, #tpu.memory_space<vmem>>, %arg9: memref<80x32xf32, #tpu.memory_space<vmem>>, %arg10: memref<10240x32xf32, #tpu.memory_space<vmem_shared>>, %arg11: memref<!tpu.dma_semaphore, #tpu.memory_space<semaphore_mem>>, %arg12: memref<!tpu.dma_semaphore, #tpu.memory_space<semaphore_mem>>) attributes {dimension_semantics = [#tpu.dimension_semantics<core_parallel>, #tpu.dimension_semantics<subcore_parallel>], iteration_bounds = array<i64: 2, 16>, scalar_prefetch = 0 : i64, scratch_operands = 7 : i64, tpu.core_type = #tpu.core_type<sc_vector_subcore>, window_params = [{transform_indices = #map}, {transform_indices = #map1}, {transform_indices = #map1}, {transform_indices = #map1}]} {
    %mul3A = arith.constant 2 : i32
    %mul3A_0 = arith.muli %arg1, %mul3A : i32
    %add3A = arith.addi %mul3A_0, %arg0 : i32
    %scan3A = arith.constant 0 : i32
    %scan3A_1 = arith.constant 0 : i32
    %scan3A_2 = arith.constant 160 : i32
    %scan3A_3 = arith.addi %scan3A_1, %scan3A_2 : i32
    %scan3A_4 = arith.constant 1 : i32
    %scan3A_5 = scf.for %scan3A_51 = %scan3A_1 to %scan3A_3 step %scan3A_4 iter_args(%scan3A_52 = %scan3A) -> (i32)  : i32 {
      %jit3A = arith.constant 2 : i32
      %div3A = arith.divsi %scan3A_51, %jit3A : i32
      %sign3A = arith.constant 0 : i32
      %sign3A_53 = arith.cmpi sgt, %scan3A_51, %sign3A : i32
      %sign3A_54 = arith.extui %sign3A_53 : i1 to i32
      %sign3A_55 = arith.constant 0 : i32
      %sign3A_56 = arith.cmpi slt, %scan3A_51, %sign3A_55 : i32
      %sign3A_57 = arith.extui %sign3A_56 : i1 to i32
      %sign3A_58 = arith.subi %sign3A_54, %sign3A_57 : i32
      %sign3A_59 = arith.constant 0 : i32
      %sign3A_60 = arith.cmpi sgt, %jit3A, %sign3A_59 : i32
      %sign3A_61 = arith.extui %sign3A_60 : i1 to i32
      %sign3A_62 = arith.constant 0 : i32
      %sign3A_63 = arith.cmpi slt, %jit3A, %sign3A_62 : i32
      %sign3A_64 = arith.extui %sign3A_63 : i1 to i32
      %sign3A_65 = arith.subi %sign3A_61, %sign3A_64 : i32
      %ne3A = arith.cmpi ne, %sign3A_58, %sign3A_65 : i32
      %rem3A = arith.remsi %scan3A_51, %jit3A : i32
      %ne3A_66 = arith.constant 0 : i32
      %ne3A_67 = arith.cmpi ne, %rem3A, %ne3A_66 : i32
      %and3A = arith.andi %ne3A, %ne3A_67 : i1
      %sub3A = arith.constant 1 : i32
      %sub3A_68 = arith.subi %div3A, %sub3A : i32
      %select_n3A = arith.select %and3A, %sub3A_68, %div3A : i32
      %jit3A_69 = arith.constant 2 : i32
      %eq3A = arith.constant 0 : i32
      %eq3A_70 = arith.cmpi eq, %jit3A_69, %eq3A : i32
      %jit3A_71 = arith.constant 1 : i32
      %select_n3A_72 = arith.select %eq3A_70, %jit3A_71, %jit3A_69 : i32
      %rem3A_73 = arith.remsi %scan3A_51, %select_n3A_72 : i32
      %ne3A_74 = arith.constant 0 : i32
      %ne3A_75 = arith.cmpi ne, %rem3A_73, %ne3A_74 : i32
      %lt3A = arith.constant 0 : i32
      %lt3A_76 = arith.cmpi slt, %rem3A_73, %lt3A : i32
      %lt3A_77 = arith.constant 0 : i32
      %lt3A_78 = arith.cmpi slt, %select_n3A_72, %lt3A_77 : i32
      %ne3A_79 = arith.xori %lt3A_76, %lt3A_78 : i1
      %and3A_80 = arith.andi %ne3A_79, %ne3A_75 : i1
      %add3A_81 = arith.addi %rem3A_73, %select_n3A_72 : i32
      %select_n3A_82 = arith.select %and3A_80, %add3A_81, %rem3A_73 : i32
      %mul3A_83 = arith.constant 16 : i32
      %mul3A_84 = arith.muli %select_n3A_82, %mul3A_83 : i32
      %broadcast_in_dim3A = arith.constant 0.000000e+00 : f32
      %broadcast_in_dim3A_85 = vector.broadcast %broadcast_in_dim3A : f32 to vector<16xf32>
      %swap3A = arith.index_cast %select_n3A : i32 to index
      %swap3A_86 = arith.index_cast %mul3A_84 : i32 to index
      %swap3A_87 = tpu.vector_load %arg8[%swap3A, %swap3A_86] {strides = array<i32>} : memref<80x32xf32, #tpu.memory_space<vmem>>, vector<1x16xf32>,
      %swap3A_88 = vector.shape_cast %swap3A_87 : vector<1x16xf32> to vector<16xf32>
      %swap3A_89 = vector.shape_cast %broadcast_in_dim3A_85 : vector<16xf32> to vector<1x16xf32>
      tpu.vector_store %arg8[%swap3A, %swap3A_86], %swap3A_89 {strides = array<i32>} : memref<80x32xf32, #tpu.memory_space<vmem>>, vector<1x16xf32>,
      %scan3A_90 = arith.constant 0 : i32
      scf.yield %scan3A_90 : i32
    }
    %scan3A_6 = arith.constant 160 : i32
    %mul3A_7 = arith.constant 640 : i32
    %mul3A_8 = arith.muli %arg1, %mul3A_7 : i32
    %add3A_9 = arith.constant 0 : i32
    %add3A_10 = arith.addi %mul3A_8, %add3A_9 : i32
    "tpu.region"() ({
      %run_scoped3A = tpu.sem_alloc : memref<!tpu.dma_semaphore, #tpu.memory_space<semaphore_mem>>
      %dma_start3A = arith.constant 0 : i32
      %dma_start3A_51 = tpu.memref_slice %arg10[%add3A_10, %dma_start3A] : memref<10240x32xf32, #tpu.memory_space<vmem_shared>> -> memref<80x32xf32, #tpu.memory_space<vmem_shared>>
      %dma_start3A_52 = arith.constant 0 : i32
      %dma_start3A_53 = tpu.memref_slice %arg10[%add3A_10, %dma_start3A_52] : memref<10240x32xf32, #tpu.memory_space<vmem_shared>> -> memref<80x32xf32, #tpu.memory_space<vmem_shared>>
      tpu.enqueue_dma source(%arg8 : memref<80x32xf32, #tpu.memory_space<vmem>>) target(%dma_start3A_53 : memref<80x32xf32, #tpu.memory_space<vmem_shared>>) target_semaphore(%run_scoped3A : memref<!tpu.dma_semaphore, #tpu.memory_space<semaphore_mem>>)
      %dma_wait3A = arith.constant 0 : i32
      %dma_wait3A_54 = tpu.memref_slice %arg10[%add3A_10, %dma_wait3A] : memref<10240x32xf32, #tpu.memory_space<vmem_shared>> -> memref<80x32xf32, #tpu.memory_space<vmem_shared>>
      %dma_wait3A_55 = arith.constant 0 : i32
      %dma_wait3A_56 = tpu.memref_slice %arg10[%add3A_10, %dma_wait3A_55] : memref<10240x32xf32, #tpu.memory_space<vmem_shared>> -> memref<80x32xf32, #tpu.memory_space<vmem_shared>>
      tpu.wait_dma2 semaphore(%run_scoped3A : memref<!tpu.dma_semaphore, #tpu.memory_space<semaphore_mem>>) src(%arg8 : memref<80x32xf32, #tpu.memory_space<vmem>>) dst(%dma_wait3A_56 : memref<80x32xf32, #tpu.memory_space<vmem_shared>>)
      tpu.yield
    }) : () -> ()
    %mul3A_11 = arith.constant 640 : i32
    %mul3A_12 = arith.muli %arg1, %mul3A_11 : i32
    %add3A_13 = arith.constant 80 : i32
    %add3A_14 = arith.addi %mul3A_12, %add3A_13 : i32
    "tpu.region"() ({
      %run_scoped3A = tpu.sem_alloc : memref<!tpu.dma_semaphore, #tpu.memory_space<semaphore_mem>>
      %dma_start3A = arith.constant 0 : i32
      %dma_start3A_51 = tpu.memref_slice %arg10[%add3A_14, %dma_start3A] : memref<10240x32xf32, #tpu.memory_space<vmem_shared>> -> memref<80x32xf32, #tpu.memory_space<vmem_shared>>
      %dma_start3A_52 = arith.constant 0 : i32
      %dma_start3A_53 = tpu.memref_slice %arg10[%add3A_14, %dma_start3A_52] : memref<10240x32xf32, #tpu.memory_space<vmem_shared>> -> memref<80x32xf32, #tpu.memory_space<vmem_shared>>
      tpu.enqueue_dma source(%arg8 : memref<80x32xf32, #tpu.memory_space<vmem>>) target(%dma_start3A_53 : memref<80x32xf32, #tpu.memory_space<vmem_shared>>) target_semaphore(%run_scoped3A : memref<!tpu.dma_semaphore, #tpu.memory_space<semaphore_mem>>)
      %dma_wait3A = arith.constant 0 : i32
      %dma_wait3A_54 = tpu.memref_slice %arg10[%add3A_14, %dma_wait3A] : memref<10240x32xf32, #tpu.memory_space<vmem_shared>> -> memref<80x32xf32, #tpu.memory_space<vmem_shared>>
      %dma_wait3A_55 = arith.constant 0 : i32
      %dma_wait3A_56 = tpu.memref_slice %arg10[%add3A_14, %dma_wait3A_55] : memref<10240x32xf32, #tpu.memory_space<vmem_shared>> -> memref<80x32xf32, #tpu.memory_space<vmem_shared>>
      tpu.wait_dma2 semaphore(%run_scoped3A : memref<!tpu.dma_semaphore, #tpu.memory_space<semaphore_mem>>) src(%arg8 : memref<80x32xf32, #tpu.memory_space<vmem>>) dst(%dma_wait3A_56 : memref<80x32xf32, #tpu.memory_space<vmem_shared>>)
      tpu.yield
    }) : () -> ()
    %mul3A_15 = arith.constant 640 : i32
    %mul3A_16 = arith.muli %arg1, %mul3A_15 : i32
    %add3A_17 = arith.constant 160 : i32
    %add3A_18 = arith.addi %mul3A_16, %add3A_17 : i32
    "tpu.region"() ({
      %run_scoped3A = tpu.sem_alloc : memref<!tpu.dma_semaphore, #tpu.memory_space<semaphore_mem>>
      %dma_start3A = arith.constant 0 : i32
      %dma_start3A_51 = tpu.memref_slice %arg10[%add3A_18, %dma_start3A] : memref<10240x32xf32, #tpu.memory_space<vmem_shared>> -> memref<80x32xf32, #tpu.memory_space<vmem_shared>>
      %dma_start3A_52 = arith.constant 0 : i32
      %dma_start3A_53 = tpu.memref_slice %arg10[%add3A_18, %dma_start3A_52] : memref<10240x32xf32, #tpu.memory_space<vmem_shared>> -> memref<80x32xf32, #tpu.memory_space<vmem_shared>>
      tpu.enqueue_dma source(%arg8 : memref<80x32xf32, #tpu.memory_space<vmem>>) target(%dma_start3A_53 : memref<80x32xf32, #tpu.memory_space<vmem_shared>>) target_semaphore(%run_scoped3A : memref<!tpu.dma_semaphore, #tpu.memory_space<semaphore_mem>>)
      %dma_wait3A = arith.constant 0 : i32
      %dma_wait3A_54 = tpu.memref_slice %arg10[%add3A_18, %dma_wait3A] : memref<10240x32xf32, #tpu.memory_space<vmem_shared>> -> memref<80x32xf32, #tpu.memory_space<vmem_shared>>
      %dma_wait3A_55 = arith.constant 0 : i32
      %dma_wait3A_56 = tpu.memref_slice %arg10[%add3A_18, %dma_wait3A_55] : memref<10240x32xf32, #tpu.memory_space<vmem_shared>> -> memref<80x32xf32, #tpu.memory_space<vmem_shared>>
      tpu.wait_dma2 semaphore(%run_scoped3A : memref<!tpu.dma_semaphore, #tpu.memory_space<semaphore_mem>>) src(%arg8 : memref<80x32xf32, #tpu.memory_space<vmem>>) dst(%dma_wait3A_56 : memref<80x32xf32, #tpu.memory_space<vmem_shared>>)
      tpu.yield
    }) : () -> ()
    %mul3A_19 = arith.constant 640 : i32
    %mul3A_20 = arith.muli %arg1, %mul3A_19 : i32
    %add3A_21 = arith.constant 240 : i32
    %add3A_22 = arith.addi %mul3A_20, %add3A_21 : i32
    "tpu.region"() ({
      %run_scoped3A = tpu.sem_alloc : memref<!tpu.dma_semaphore, #tpu.memory_space<semaphore_mem>>
      %dma_start3A = arith.constant 0 : i32
      %dma_start3A_51 = tpu.memref_slice %arg10[%add3A_22, %dma_start3A] : memref<10240x32xf32, #tpu.memory_space<vmem_shared>> -> memref<80x32xf32, #tpu.memory_space<vmem_shared>>
      %dma_start3A_52 = arith.constant 0 : i32
      %dma_start3A_53 = tpu.memref_slice %arg10[%add3A_22, %dma_start3A_52] : memref<10240x32xf32, #tpu.memory_space<vmem_shared>> -> memref<80x32xf32, #tpu.memory_space<vmem_shared>>
      tpu.enqueue_dma source(%arg8 : memref<80x32xf32, #tpu.memory_space<vmem>>) target(%dma_start3A_53 : memref<80x32xf32, #tpu.memory_space<vmem_shared>>) target_semaphore(%run_scoped3A : memref<!tpu.dma_semaphore, #tpu.memory_space<semaphore_mem>>)
      %dma_wait3A = arith.constant 0 : i32
      %dma_wait3A_54 = tpu.memref_slice %arg10[%add3A_22, %dma_wait3A] : memref<10240x32xf32, #tpu.memory_space<vmem_shared>> -> memref<80x32xf32, #tpu.memory_space<vmem_shared>>
      %dma_wait3A_55 = arith.constant 0 : i32
      %dma_wait3A_56 = tpu.memref_slice %arg10[%add3A_22, %dma_wait3A_55] : memref<10240x32xf32, #tpu.memory_space<vmem_shared>> -> memref<80x32xf32, #tpu.memory_space<vmem_shared>>
      tpu.wait_dma2 semaphore(%run_scoped3A : memref<!tpu.dma_semaphore, #tpu.memory_space<semaphore_mem>>) src(%arg8 : memref<80x32xf32, #tpu.memory_space<vmem>>) dst(%dma_wait3A_56 : memref<80x32xf32, #tpu.memory_space<vmem_shared>>)
      tpu.yield
    }) : () -> ()
    %mul3A_23 = arith.constant 640 : i32
    %mul3A_24 = arith.muli %arg1, %mul3A_23 : i32
    %add3A_25 = arith.constant 320 : i32
    %add3A_26 = arith.addi %mul3A_24, %add3A_25 : i32
    "tpu.region"() ({
      %run_scoped3A = tpu.sem_alloc : memref<!tpu.dma_semaphore, #tpu.memory_space<semaphore_mem>>
      %dma_start3A = arith.constant 0 : i32
      %dma_start3A_51 = tpu.memref_slice %arg10[%add3A_26, %dma_start3A] : memref<10240x32xf32, #tpu.memory_space<vmem_shared>> -> memref<80x32xf32, #tpu.memory_space<vmem_shared>>
      %dma_start3A_52 = arith.constant 0 : i32
      %dma_start3A_53 = tpu.memref_slice %arg10[%add3A_26, %dma_start3A_52] : memref<10240x32xf32, #tpu.memory_space<vmem_shared>> -> memref<80x32xf32, #tpu.memory_space<vmem_shared>>
      tpu.enqueue_dma source(%arg8 : memref<80x32xf32, #tpu.memory_space<vmem>>) target(%dma_start3A_53 : memref<80x32xf32, #tpu.memory_space<vmem_shared>>) target_semaphore(%run_scoped3A : memref<!tpu.dma_semaphore, #tpu.memory_space<semaphore_mem>>)
      %dma_wait3A = arith.constant 0 : i32
      %dma_wait3A_54 = tpu.memref_slice %arg10[%add3A_26, %dma_wait3A] : memref<10240x32xf32, #tpu.memory_space<vmem_shared>> -> memref<80x32xf32, #tpu.memory_space<vmem_shared>>
      %dma_wait3A_55 = arith.constant 0 : i32
      %dma_wait3A_56 = tpu.memref_slice %arg10[%add3A_26, %dma_wait3A_55] : memref<10240x32xf32, #tpu.memory_space<vmem_shared>> -> memref<80x32xf32, #tpu.memory_space<vmem_shared>>
      tpu.wait_dma2 semaphore(%run_scoped3A : memref<!tpu.dma_semaphore, #tpu.memory_space<semaphore_mem>>) src(%arg8 : memref<80x32xf32, #tpu.memory_space<vmem>>) dst(%dma_wait3A_56 : memref<80x32xf32, #tpu.memory_space<vmem_shared>>)
      tpu.yield
    }) : () -> ()
    %mul3A_27 = arith.constant 640 : i32
    %mul3A_28 = arith.muli %arg1, %mul3A_27 : i32
    %add3A_29 = arith.constant 400 : i32
    %add3A_30 = arith.addi %mul3A_28, %add3A_29 : i32
    "tpu.region"() ({
      %run_scoped3A = tpu.sem_alloc : memref<!tpu.dma_semaphore, #tpu.memory_space<semaphore_mem>>
      %dma_start3A = arith.constant 0 : i32
      %dma_start3A_51 = tpu.memref_slice %arg10[%add3A_30, %dma_start3A] : memref<10240x32xf32, #tpu.memory_space<vmem_shared>> -> memref<80x32xf32, #tpu.memory_space<vmem_shared>>
      %dma_start3A_52 = arith.constant 0 : i32
      %dma_start3A_53 = tpu.memref_slice %arg10[%add3A_30, %dma_start3A_52] : memref<10240x32xf32, #tpu.memory_space<vmem_shared>> -> memref<80x32xf32, #tpu.memory_space<vmem_shared>>
      tpu.enqueue_dma source(%arg8 : memref<80x32xf32, #tpu.memory_space<vmem>>) target(%dma_start3A_53 : memref<80x32xf32, #tpu.memory_space<vmem_shared>>) target_semaphore(%run_scoped3A : memref<!tpu.dma_semaphore, #tpu.memory_space<semaphore_mem>>)
      %dma_wait3A = arith.constant 0 : i32
      %dma_wait3A_54 = tpu.memref_slice %arg10[%add3A_30, %dma_wait3A] : memref<10240x32xf32, #tpu.memory_space<vmem_shared>> -> memref<80x32xf32, #tpu.memory_space<vmem_shared>>
      %dma_wait3A_55 = arith.constant 0 : i32
      %dma_wait3A_56 = tpu.memref_slice %arg10[%add3A_30, %dma_wait3A_55] : memref<10240x32xf32, #tpu.memory_space<vmem_shared>> -> memref<80x32xf32, #tpu.memory_space<vmem_shared>>
      tpu.wait_dma2 semaphore(%run_scoped3A : memref<!tpu.dma_semaphore, #tpu.memory_space<semaphore_mem>>) src(%arg8 : memref<80x32xf32, #tpu.memory_space<vmem>>) dst(%dma_wait3A_56 : memref<80x32xf32, #tpu.memory_space<vmem_shared>>)
      tpu.yield
    }) : () -> ()
    %mul3A_31 = arith.constant 640 : i32
    %mul3A_32 = arith.muli %arg1, %mul3A_31 : i32
    %add3A_33 = arith.constant 480 : i32
    %add3A_34 = arith.addi %mul3A_32, %add3A_33 : i32
    "tpu.region"() ({
      %run_scoped3A = tpu.sem_alloc : memref<!tpu.dma_semaphore, #tpu.memory_space<semaphore_mem>>
      %dma_start3A = arith.constant 0 : i32
      %dma_start3A_51 = tpu.memref_slice %arg10[%add3A_34, %dma_start3A] : memref<10240x32xf32, #tpu.memory_space<vmem_shared>> -> memref<80x32xf32, #tpu.memory_space<vmem_shared>>
      %dma_start3A_52 = arith.constant 0 : i32
      %dma_start3A_53 = tpu.memref_slice %arg10[%add3A_34, %dma_start3A_52] : memref<10240x32xf32, #tpu.memory_space<vmem_shared>> -> memref<80x32xf32, #tpu.memory_space<vmem_shared>>
      tpu.enqueue_dma source(%arg8 : memref<80x32xf32, #tpu.memory_space<vmem>>) target(%dma_start3A_53 : memref<80x32xf32, #tpu.memory_space<vmem_shared>>) target_semaphore(%run_scoped3A : memref<!tpu.dma_semaphore, #tpu.memory_space<semaphore_mem>>)
      %dma_wait3A = arith.constant 0 : i32
      %dma_wait3A_54 = tpu.memref_slice %arg10[%add3A_34, %dma_wait3A] : memref<10240x32xf32, #tpu.memory_space<vmem_shared>> -> memref<80x32xf32, #tpu.memory_space<vmem_shared>>
      %dma_wait3A_55 = arith.constant 0 : i32
      %dma_wait3A_56 = tpu.memref_slice %arg10[%add3A_34, %dma_wait3A_55] : memref<10240x32xf32, #tpu.memory_space<vmem_shared>> -> memref<80x32xf32, #tpu.memory_space<vmem_shared>>
      tpu.wait_dma2 semaphore(%run_scoped3A : memref<!tpu.dma_semaphore, #tpu.memory_space<semaphore_mem>>) src(%arg8 : memref<80x32xf32, #tpu.memory_space<vmem>>) dst(%dma_wait3A_56 : memref<80x32xf32, #tpu.memory_space<vmem_shared>>)
      tpu.yield
    }) : () -> ()
    %mul3A_35 = arith.constant 640 : i32
    %mul3A_36 = arith.muli %arg1, %mul3A_35 : i32
    %add3A_37 = arith.constant 560 : i32
    %add3A_38 = arith.addi %mul3A_36, %add3A_37 : i32
    "tpu.region"() ({
      %run_scoped3A = tpu.sem_alloc : memref<!tpu.dma_semaphore, #tpu.memory_space<semaphore_mem>>
      %dma_start3A = arith.constant 0 : i32
      %dma_start3A_51 = tpu.memref_slice %arg10[%add3A_38, %dma_start3A] : memref<10240x32xf32, #tpu.memory_space<vmem_shared>> -> memref<80x32xf32, #tpu.memory_space<vmem_shared>>
      %dma_start3A_52 = arith.constant 0 : i32
      %dma_start3A_53 = tpu.memref_slice %arg10[%add3A_38, %dma_start3A_52] : memref<10240x32xf32, #tpu.memory_space<vmem_shared>> -> memref<80x32xf32, #tpu.memory_space<vmem_shared>>
      tpu.enqueue_dma source(%arg8 : memref<80x32xf32, #tpu.memory_space<vmem>>) target(%dma_start3A_53 : memref<80x32xf32, #tpu.memory_space<vmem_shared>>) target_semaphore(%run_scoped3A : memref<!tpu.dma_semaphore, #tpu.memory_space<semaphore_mem>>)
      %dma_wait3A = arith.constant 0 : i32
      %dma_wait3A_54 = tpu.memref_slice %arg10[%add3A_38, %dma_wait3A] : memref<10240x32xf32, #tpu.memory_space<vmem_shared>> -> memref<80x32xf32, #tpu.memory_space<vmem_shared>>
      %dma_wait3A_55 = arith.constant 0 : i32
      %dma_wait3A_56 = tpu.memref_slice %arg10[%add3A_38, %dma_wait3A_55] : memref<10240x32xf32, #tpu.memory_space<vmem_shared>> -> memref<80x32xf32, #tpu.memory_space<vmem_shared>>
      tpu.wait_dma2 semaphore(%run_scoped3A : memref<!tpu.dma_semaphore, #tpu.memory_space<semaphore_mem>>) src(%arg8 : memref<80x32xf32, #tpu.memory_space<vmem>>) dst(%dma_wait3A_56 : memref<80x32xf32, #tpu.memory_space<vmem_shared>>)
      tpu.yield
    }) : () -> ()
    %barrier3A = arith.constant 0 : index
    tpu.barrier barrier_id(%barrier3A)
    "tpu.region"() ({
      %run_scoped3A = tpu.sem_alloc : memref<!tpu.dma_semaphore, #tpu.memory_space<semaphore_mem>>
      %dma_start3A = arith.constant 0 : i32
      %dma_start3A_51 = arith.constant 0 : i32
      %dma_start3A_52 = tpu.memref_slice %arg3[%add3A, %dma_start3A, %dma_start3A_51] : memref<32x125x80xi32, #tpu.memory_space<hbm>> -> memref<1x125x80xi32, #tpu.memory_space<hbm>>
      %dma_start3A_53 = tpu.memref_squeeze %dma_start3A_52 : memref<1x125x80xi32, #tpu.memory_space<hbm>> -> memref<125x80xi32, #tpu.memory_space<hbm>>
      %dma_start3A_54 = arith.constant 0 : i32
      %dma_start3A_55 = arith.constant 0 : i32
      %dma_start3A_56 = tpu.memref_slice %arg3[%add3A, %dma_start3A_54, %dma_start3A_55] : memref<32x125x80xi32, #tpu.memory_space<hbm>> -> memref<1x125x80xi32, #tpu.memory_space<hbm>>
      %dma_start3A_57 = tpu.memref_squeeze %dma_start3A_56 : memref<1x125x80xi32, #tpu.memory_space<hbm>> -> memref<125x80xi32, #tpu.memory_space<hbm>>
      tpu.enqueue_dma source(%dma_start3A_57 : memref<125x80xi32, #tpu.memory_space<hbm>>) target(%arg6 : memref<125x80xi32, #tpu.memory_space<vmem>>) target_semaphore(%run_scoped3A : memref<!tpu.dma_semaphore, #tpu.memory_space<semaphore_mem>>)
      %dma_wait3A = arith.constant 0 : i32
      %dma_wait3A_58 = arith.constant 0 : i32
      %dma_wait3A_59 = tpu.memref_slice %arg3[%add3A, %dma_wait3A, %dma_wait3A_58] : memref<32x125x80xi32, #tpu.memory_space<hbm>> -> memref<1x125x80xi32, #tpu.memory_space<hbm>>
      %dma_wait3A_60 = tpu.memref_squeeze %dma_wait3A_59 : memref<1x125x80xi32, #tpu.memory_space<hbm>> -> memref<125x80xi32, #tpu.memory_space<hbm>>
      %dma_wait3A_61 = arith.constant 0 : i32
      %dma_wait3A_62 = arith.constant 0 : i32
      %dma_wait3A_63 = tpu.memref_slice %arg3[%add3A, %dma_wait3A_61, %dma_wait3A_62] : memref<32x125x80xi32, #tpu.memory_space<hbm>> -> memref<1x125x80xi32, #tpu.memory_space<hbm>>
      %dma_wait3A_64 = tpu.memref_squeeze %dma_wait3A_63 : memref<1x125x80xi32, #tpu.memory_space<hbm>> -> memref<125x80xi32, #tpu.memory_space<hbm>>
      tpu.wait_dma2 semaphore(%run_scoped3A : memref<!tpu.dma_semaphore, #tpu.memory_space<semaphore_mem>>) src(%dma_wait3A_64 : memref<125x80xi32, #tpu.memory_space<hbm>>) dst(%arg6 : memref<125x80xi32, #tpu.memory_space<vmem>>)
      tpu.yield
    }) : () -> ()
    "tpu.region"() ({
      %run_scoped3A = tpu.sem_alloc : memref<!tpu.dma_semaphore, #tpu.memory_space<semaphore_mem>>
      %dma_start3A = arith.constant 0 : i32
      %dma_start3A_51 = arith.constant 0 : i32
      %dma_start3A_52 = tpu.memref_slice %arg4[%add3A, %dma_start3A, %dma_start3A_51] : memref<32x125x80xi32, #tpu.memory_space<hbm>> -> memref<1x125x80xi32, #tpu.memory_space<hbm>>
      %dma_start3A_53 = tpu.memref_squeeze %dma_start3A_52 : memref<1x125x80xi32, #tpu.memory_space<hbm>> -> memref<125x80xi32, #tpu.memory_space<hbm>>
      %dma_start3A_54 = arith.constant 0 : i32
      %dma_start3A_55 = arith.constant 0 : i32
      %dma_start3A_56 = tpu.memref_slice %arg4[%add3A, %dma_start3A_54, %dma_start3A_55] : memref<32x125x80xi32, #tpu.memory_space<hbm>> -> memref<1x125x80xi32, #tpu.memory_space<hbm>>
      %dma_start3A_57 = tpu.memref_squeeze %dma_start3A_56 : memref<1x125x80xi32, #tpu.memory_space<hbm>> -> memref<125x80xi32, #tpu.memory_space<hbm>>
      tpu.enqueue_dma source(%dma_start3A_57 : memref<125x80xi32, #tpu.memory_space<hbm>>) target(%arg7 : memref<125x80xi32, #tpu.memory_space<vmem>>) target_semaphore(%run_scoped3A : memref<!tpu.dma_semaphore, #tpu.memory_space<semaphore_mem>>)
      %dma_wait3A = arith.constant 0 : i32
      %dma_wait3A_58 = arith.constant 0 : i32
      %dma_wait3A_59 = tpu.memref_slice %arg4[%add3A, %dma_wait3A, %dma_wait3A_58] : memref<32x125x80xi32, #tpu.memory_space<hbm>> -> memref<1x125x80xi32, #tpu.memory_space<hbm>>
      %dma_wait3A_60 = tpu.memref_squeeze %dma_wait3A_59 : memref<1x125x80xi32, #tpu.memory_space<hbm>> -> memref<125x80xi32, #tpu.memory_space<hbm>>
      %dma_wait3A_61 = arith.constant 0 : i32
      %dma_wait3A_62 = arith.constant 0 : i32
      %dma_wait3A_63 = tpu.memref_slice %arg4[%add3A, %dma_wait3A_61, %dma_wait3A_62] : memref<32x125x80xi32, #tpu.memory_space<hbm>> -> memref<1x125x80xi32, #tpu.memory_space<hbm>>
      %dma_wait3A_64 = tpu.memref_squeeze %dma_wait3A_63 : memref<1x125x80xi32, #tpu.memory_space<hbm>> -> memref<125x80xi32, #tpu.memory_space<hbm>>
      tpu.wait_dma2 semaphore(%run_scoped3A : memref<!tpu.dma_semaphore, #tpu.memory_space<semaphore_mem>>) src(%dma_wait3A_64 : memref<125x80xi32, #tpu.memory_space<hbm>>) dst(%arg7 : memref<125x80xi32, #tpu.memory_space<vmem>>)
      tpu.yield
    }) : () -> ()
    %scan3A_39 = arith.constant 0 : i32
    %scan3A_40 = arith.constant 0 : i32
    %scan3A_41 = arith.constant 125 : i32
    %scan3A_42 = arith.addi %scan3A_40, %scan3A_41 : i32
    %scan3A_43 = arith.constant 1 : i32
    %scan3A_44 = scf.for %scan3A_51 = %scan3A_40 to %scan3A_42 step %scan3A_43 iter_args(%scan3A_52 = %scan3A_39) -> (i32)  : i32 {
      %dma_start3A = arith.constant 0 : i32
      %dma_start3A_53 = tpu.memref_slice %arg6[%scan3A_51, %dma_start3A] : memref<125x80xi32, #tpu.memory_space<vmem>> -> memref<1x80xi32, #tpu.memory_space<vmem>>
      %dma_start3A_54 = tpu.memref_squeeze %dma_start3A_53 : memref<1x80xi32, #tpu.memory_space<vmem>> -> memref<80xi32, #tpu.memory_space<vmem>>
      %dma_start3A_55 = arith.constant 0 : i32
      %dma_start3A_56 = arith.constant 0 : i32
      %dma_start3A_57 = tpu.memref_slice %arg2[%dma_start3A_55, %dma_start3A_56] : memref<10000x32xf32, #tpu.memory_space<hbm>> -> memref<10000x32xf32, #tpu.memory_space<hbm>>
      tpu.enqueue_indirect_dma source(%dma_start3A_57 : memref<10000x32xf32, #tpu.memory_space<hbm>>) target(%arg8 : memref<80x32xf32, #tpu.memory_space<vmem>>) offsets(%dma_start3A_54 : memref<80xi32, #tpu.memory_space<vmem>>) semaphore(%arg11 : memref<!tpu.dma_semaphore, #tpu.memory_space<semaphore_mem>>)
      %dma_wait3A = arith.constant 0 : i32
      %dma_wait3A_58 = tpu.memref_slice %arg6[%scan3A_51, %dma_wait3A] : memref<125x80xi32, #tpu.memory_space<vmem>> -> memref<1x80xi32, #tpu.memory_space<vmem>>
      %dma_wait3A_59 = tpu.memref_squeeze %dma_wait3A_58 : memref<1x80xi32, #tpu.memory_space<vmem>> -> memref<80xi32, #tpu.memory_space<vmem>>
      %dma_wait3A_60 = arith.constant 0 : i32
      %dma_wait3A_61 = arith.constant 0 : i32
      %dma_wait3A_62 = tpu.memref_slice %arg2[%dma_wait3A_60, %dma_wait3A_61] : memref<10000x32xf32, #tpu.memory_space<hbm>> -> memref<10000x32xf32, #tpu.memory_space<hbm>>
      tpu.wait_indirect_dma semaphore(%arg11 : memref<!tpu.dma_semaphore, #tpu.memory_space<semaphore_mem>>) src(%dma_wait3A_62 : memref<10000x32xf32, #tpu.memory_space<hbm>>) dst(%arg8 : memref<80x32xf32, #tpu.memory_space<vmem>>)
      "tpu.region"() ({
        %run_scoped3A = tpu.sem_alloc : memref<!tpu.dma_semaphore, #tpu.memory_space<semaphore_mem>>
        %dma_start3A_64 = arith.constant 0 : i32
        %dma_start3A_65 = tpu.memref_slice %arg7[%scan3A_51, %dma_start3A_64] : memref<125x80xi32, #tpu.memory_space<vmem>> -> memref<1x80xi32, #tpu.memory_space<vmem>>
        %dma_start3A_66 = tpu.memref_squeeze %dma_start3A_65 : memref<1x80xi32, #tpu.memory_space<vmem>> -> memref<80xi32, #tpu.memory_space<vmem>>
        %dma_start3A_67 = arith.constant 0 : i32
        %dma_start3A_68 = arith.constant 0 : i32
        %dma_start3A_69 = tpu.memref_slice %arg10[%dma_start3A_67, %dma_start3A_68] : memref<10240x32xf32, #tpu.memory_space<vmem_shared>> -> memref<10240x32xf32, #tpu.memory_space<vmem_shared>>
        tpu.enqueue_indirect_dma source(%arg8 : memref<80x32xf32, #tpu.memory_space<vmem>>) target(%dma_start3A_69 : memref<10240x32xf32, #tpu.memory_space<vmem_shared>>) offsets(%dma_start3A_66 : memref<80xi32, #tpu.memory_space<vmem>>) semaphore(%run_scoped3A : memref<!tpu.dma_semaphore, #tpu.memory_space<semaphore_mem>>) {add = true}
        %dma_wait3A_70 = arith.constant 0 : i32
        %dma_wait3A_71 = tpu.memref_slice %arg7[%scan3A_51, %dma_wait3A_70] : memref<125x80xi32, #tpu.memory_space<vmem>> -> memref<1x80xi32, #tpu.memory_space<vmem>>
        %dma_wait3A_72 = tpu.memref_squeeze %dma_wait3A_71 : memref<1x80xi32, #tpu.memory_space<vmem>> -> memref<80xi32, #tpu.memory_space<vmem>>
        %dma_wait3A_73 = arith.constant 0 : i32
        %dma_wait3A_74 = arith.constant 0 : i32
        %dma_wait3A_75 = tpu.memref_slice %arg10[%dma_wait3A_73, %dma_wait3A_74] : memref<10240x32xf32, #tpu.memory_space<vmem_shared>> -> memref<10240x32xf32, #tpu.memory_space<vmem_shared>>
        tpu.wait_indirect_dma semaphore(%run_scoped3A : memref<!tpu.dma_semaphore, #tpu.memory_space<semaphore_mem>>) src(%arg8 : memref<80x32xf32, #tpu.memory_space<vmem>>) dst(%dma_wait3A_75 : memref<10240x32xf32, #tpu.memory_space<vmem_shared>>)
        tpu.yield
      }) : () -> ()
      %scan3A_63 = arith.constant 0 : i32
      scf.yield %scan3A_63 : i32
    }
    %scan3A_45 = arith.constant 125 : i32
    %barrier3A_46 = arith.constant 0 : index
    tpu.barrier barrier_id(%barrier3A_46)
    %mul3A_47 = arith.constant 640 : i32
    %mul3A_48 = arith.muli %arg1, %mul3A_47 : i32
    %mul3A_49 = arith.constant 640 : i32
    %mul3A_50 = arith.muli %arg1, %mul3A_49 : i32
    "tpu.region"() ({
      %run_scoped3A = tpu.sem_alloc : memref<!tpu.dma_semaphore, #tpu.memory_space<semaphore_mem>>
      %dma_start3A = arith.constant 0 : i32
      %dma_start3A_51 = tpu.memref_slice %arg5[%arg0, %mul3A_50, %dma_start3A] : memref<2x10240x32xf32, #tpu.memory_space<hbm>> -> memref<1x640x32xf32, #tpu.memory_space<hbm>>
      %dma_start3A_52 = tpu.memref_squeeze %dma_start3A_51 : memref<1x640x32xf32, #tpu.memory_space<hbm>> -> memref<640x32xf32, #tpu.memory_space<hbm>>
      %dma_start3A_53 = arith.constant 0 : i32
      %dma_start3A_54 = tpu.memref_slice %arg10[%mul3A_48, %dma_start3A_53] : memref<10240x32xf32, #tpu.memory_space<vmem_shared>> -> memref<640x32xf32, #tpu.memory_space<vmem_shared>>
      tpu.enqueue_dma source(%dma_start3A_54 : memref<640x32xf32, #tpu.memory_space<vmem_shared>>) target(%dma_start3A_52 : memref<640x32xf32, #tpu.memory_space<hbm>>) target_semaphore(%run_scoped3A : memref<!tpu.dma_semaphore, #tpu.memory_space<semaphore_mem>>)
      %dma_wait3A = arith.constant 0 : i32
      %dma_wait3A_55 = tpu.memref_slice %arg5[%arg0, %mul3A_50, %dma_wait3A] : memref<2x10240x32xf32, #tpu.memory_space<hbm>> -> memref<1x640x32xf32, #tpu.memory_space<hbm>>
      %dma_wait3A_56 = tpu.memref_squeeze %dma_wait3A_55 : memref<1x640x32xf32, #tpu.memory_space<hbm>> -> memref<640x32xf32, #tpu.memory_space<hbm>>
      %dma_wait3A_57 = arith.constant 0 : i32
      %dma_wait3A_58 = tpu.memref_slice %arg10[%mul3A_48, %dma_wait3A_57] : memref<10240x32xf32, #tpu.memory_space<vmem_shared>> -> memref<640x32xf32, #tpu.memory_space<vmem_shared>>
      tpu.wait_dma2 semaphore(%run_scoped3A : memref<!tpu.dma_semaphore, #tpu.memory_space<semaphore_mem>>) src(%dma_wait3A_58 : memref<640x32xf32, #tpu.memory_space<vmem_shared>>) dst(%dma_wait3A_56 : memref<640x32xf32, #tpu.memory_space<hbm>>)
      tpu.yield
    }) : () -> ()
    return
  }
}

#map = affine_map<(d0, d1) -> (0, 0)>
#map1 = affine_map<(d0, d1) -> (0, 0, 0)>
module attributes {stable_mosaic.version = 14 : i64} {
  func.func @prop_kernel(%arg0: i32, %arg1: i32, %arg2: memref<10000x64xf32, #tpu.memory_space<hbm>>, %arg3: memref<32x125x80xi32, #tpu.memory_space<hbm>>, %arg4: memref<32x125x80xi32, #tpu.memory_space<hbm>>, %arg5: memref<2x10240x64xf32, #tpu.memory_space<hbm>>, %arg6: memref<125x80xi32, #tpu.memory_space<vmem>>, %arg7: memref<125x80xi32, #tpu.memory_space<vmem>>, %arg8: memref<80x64xf32, #tpu.memory_space<vmem>>, %arg9: memref<80x64xf32, #tpu.memory_space<vmem>>, %arg10: memref<10240x64xf32, #tpu.memory_space<vmem_shared>>, %arg11: memref<!tpu.dma_semaphore, #tpu.memory_space<semaphore_mem>>, %arg12: memref<!tpu.dma_semaphore, #tpu.memory_space<semaphore_mem>>) attributes {dimension_semantics = [#tpu.dimension_semantics<core_parallel>, #tpu.dimension_semantics<subcore_parallel>], iteration_bounds = array<i64: 2, 16>, scalar_prefetch = 0 : i64, scratch_operands = 7 : i64, tpu.core_type = #tpu.core_type<sc_vector_subcore>, window_params = [{transform_indices = #map}, {transform_indices = #map1}, {transform_indices = #map1}, {transform_indices = #map1}]} {
    %mul3A = arith.constant 2 : i32
    %mul3A_0 = arith.muli %arg1, %mul3A : i32
    %add3A = arith.addi %mul3A_0, %arg0 : i32
    %scan3A = arith.constant 0 : i32
    %scan3A_1 = arith.constant 0 : i32
    %scan3A_2 = arith.constant 320 : i32
    %scan3A_3 = arith.addi %scan3A_1, %scan3A_2 : i32
    %scan3A_4 = arith.constant 1 : i32
    %scan3A_5 = scf.for %scan3A_51 = %scan3A_1 to %scan3A_3 step %scan3A_4 iter_args(%scan3A_52 = %scan3A) -> (i32)  : i32 {
      %jit3A = arith.constant 4 : i32
      %div3A = arith.divsi %scan3A_51, %jit3A : i32
      %sign3A = arith.constant 0 : i32
      %sign3A_53 = arith.cmpi sgt, %scan3A_51, %sign3A : i32
      %sign3A_54 = arith.extui %sign3A_53 : i1 to i32
      %sign3A_55 = arith.constant 0 : i32
      %sign3A_56 = arith.cmpi slt, %scan3A_51, %sign3A_55 : i32
      %sign3A_57 = arith.extui %sign3A_56 : i1 to i32
      %sign3A_58 = arith.subi %sign3A_54, %sign3A_57 : i32
      %sign3A_59 = arith.constant 0 : i32
      %sign3A_60 = arith.cmpi sgt, %jit3A, %sign3A_59 : i32
      %sign3A_61 = arith.extui %sign3A_60 : i1 to i32
      %sign3A_62 = arith.constant 0 : i32
      %sign3A_63 = arith.cmpi slt, %jit3A, %sign3A_62 : i32
      %sign3A_64 = arith.extui %sign3A_63 : i1 to i32
      %sign3A_65 = arith.subi %sign3A_61, %sign3A_64 : i32
      %ne3A = arith.cmpi ne, %sign3A_58, %sign3A_65 : i32
      %rem3A = arith.remsi %scan3A_51, %jit3A : i32
      %ne3A_66 = arith.constant 0 : i32
      %ne3A_67 = arith.cmpi ne, %rem3A, %ne3A_66 : i32
      %and3A = arith.andi %ne3A, %ne3A_67 : i1
      %sub3A = arith.constant 1 : i32
      %sub3A_68 = arith.subi %div3A, %sub3A : i32
      %select_n3A = arith.select %and3A, %sub3A_68, %div3A : i32
      %jit3A_69 = arith.constant 4 : i32
      %eq3A = arith.constant 0 : i32
      %eq3A_70 = arith.cmpi eq, %jit3A_69, %eq3A : i32
      %jit3A_71 = arith.constant 1 : i32
      %select_n3A_72 = arith.select %eq3A_70, %jit3A_71, %jit3A_69 : i32
      %rem3A_73 = arith.remsi %scan3A_51, %select_n3A_72 : i32
      %ne3A_74 = arith.constant 0 : i32
      %ne3A_75 = arith.cmpi ne, %rem3A_73, %ne3A_74 : i32
      %lt3A = arith.constant 0 : i32
      %lt3A_76 = arith.cmpi slt, %rem3A_73, %lt3A : i32
      %lt3A_77 = arith.constant 0 : i32
      %lt3A_78 = arith.cmpi slt, %select_n3A_72, %lt3A_77 : i32
      %ne3A_79 = arith.xori %lt3A_76, %lt3A_78 : i1
      %and3A_80 = arith.andi %ne3A_79, %ne3A_75 : i1
      %add3A_81 = arith.addi %rem3A_73, %select_n3A_72 : i32
      %select_n3A_82 = arith.select %and3A_80, %add3A_81, %rem3A_73 : i32
      %mul3A_83 = arith.constant 16 : i32
      %mul3A_84 = arith.muli %select_n3A_82, %mul3A_83 : i32
      %broadcast_in_dim3A = arith.constant 0.000000e+00 : f32
      %broadcast_in_dim3A_85 = vector.broadcast %broadcast_in_dim3A : f32 to vector<16xf32>
      %swap3A = arith.index_cast %select_n3A : i32 to index
      %swap3A_86 = arith.index_cast %mul3A_84 : i32 to index
      %swap3A_87 = tpu.vector_load %arg8[%swap3A, %swap3A_86] {strides = array<i32>} : memref<80x64xf32, #tpu.memory_space<vmem>>, vector<1x16xf32>,
      %swap3A_88 = vector.shape_cast %swap3A_87 : vector<1x16xf32> to vector<16xf32>
      %swap3A_89 = vector.shape_cast %broadcast_in_dim3A_85 : vector<16xf32> to vector<1x16xf32>
      tpu.vector_store %arg8[%swap3A, %swap3A_86], %swap3A_89 {strides = array<i32>} : memref<80x64xf32, #tpu.memory_space<vmem>>, vector<1x16xf32>,
      %scan3A_90 = arith.constant 0 : i32
      scf.yield %scan3A_90 : i32
    }
    %scan3A_6 = arith.constant 320 : i32
    %mul3A_7 = arith.constant 640 : i32
    %mul3A_8 = arith.muli %arg1, %mul3A_7 : i32
    %add3A_9 = arith.constant 0 : i32
    %add3A_10 = arith.addi %mul3A_8, %add3A_9 : i32
    "tpu.region"() ({
      %run_scoped3A = tpu.sem_alloc : memref<!tpu.dma_semaphore, #tpu.memory_space<semaphore_mem>>
      %dma_start3A = arith.constant 0 : i32
      %dma_start3A_51 = tpu.memref_slice %arg10[%add3A_10, %dma_start3A] : memref<10240x64xf32, #tpu.memory_space<vmem_shared>> -> memref<80x64xf32, #tpu.memory_space<vmem_shared>>
      %dma_start3A_52 = arith.constant 0 : i32
      %dma_start3A_53 = tpu.memref_slice %arg10[%add3A_10, %dma_start3A_52] : memref<10240x64xf32, #tpu.memory_space<vmem_shared>> -> memref<80x64xf32, #tpu.memory_space<vmem_shared>>
      tpu.enqueue_dma source(%arg8 : memref<80x64xf32, #tpu.memory_space<vmem>>) target(%dma_start3A_53 : memref<80x64xf32, #tpu.memory_space<vmem_shared>>) target_semaphore(%run_scoped3A : memref<!tpu.dma_semaphore, #tpu.memory_space<semaphore_mem>>)
      %dma_wait3A = arith.constant 0 : i32
      %dma_wait3A_54 = tpu.memref_slice %arg10[%add3A_10, %dma_wait3A] : memref<10240x64xf32, #tpu.memory_space<vmem_shared>> -> memref<80x64xf32, #tpu.memory_space<vmem_shared>>
      %dma_wait3A_55 = arith.constant 0 : i32
      %dma_wait3A_56 = tpu.memref_slice %arg10[%add3A_10, %dma_wait3A_55] : memref<10240x64xf32, #tpu.memory_space<vmem_shared>> -> memref<80x64xf32, #tpu.memory_space<vmem_shared>>
      tpu.wait_dma2 semaphore(%run_scoped3A : memref<!tpu.dma_semaphore, #tpu.memory_space<semaphore_mem>>) src(%arg8 : memref<80x64xf32, #tpu.memory_space<vmem>>) dst(%dma_wait3A_56 : memref<80x64xf32, #tpu.memory_space<vmem_shared>>)
      tpu.yield
    }) : () -> ()
    %mul3A_11 = arith.constant 640 : i32
    %mul3A_12 = arith.muli %arg1, %mul3A_11 : i32
    %add3A_13 = arith.constant 80 : i32
    %add3A_14 = arith.addi %mul3A_12, %add3A_13 : i32
    "tpu.region"() ({
      %run_scoped3A = tpu.sem_alloc : memref<!tpu.dma_semaphore, #tpu.memory_space<semaphore_mem>>
      %dma_start3A = arith.constant 0 : i32
      %dma_start3A_51 = tpu.memref_slice %arg10[%add3A_14, %dma_start3A] : memref<10240x64xf32, #tpu.memory_space<vmem_shared>> -> memref<80x64xf32, #tpu.memory_space<vmem_shared>>
      %dma_start3A_52 = arith.constant 0 : i32
      %dma_start3A_53 = tpu.memref_slice %arg10[%add3A_14, %dma_start3A_52] : memref<10240x64xf32, #tpu.memory_space<vmem_shared>> -> memref<80x64xf32, #tpu.memory_space<vmem_shared>>
      tpu.enqueue_dma source(%arg8 : memref<80x64xf32, #tpu.memory_space<vmem>>) target(%dma_start3A_53 : memref<80x64xf32, #tpu.memory_space<vmem_shared>>) target_semaphore(%run_scoped3A : memref<!tpu.dma_semaphore, #tpu.memory_space<semaphore_mem>>)
      %dma_wait3A = arith.constant 0 : i32
      %dma_wait3A_54 = tpu.memref_slice %arg10[%add3A_14, %dma_wait3A] : memref<10240x64xf32, #tpu.memory_space<vmem_shared>> -> memref<80x64xf32, #tpu.memory_space<vmem_shared>>
      %dma_wait3A_55 = arith.constant 0 : i32
      %dma_wait3A_56 = tpu.memref_slice %arg10[%add3A_14, %dma_wait3A_55] : memref<10240x64xf32, #tpu.memory_space<vmem_shared>> -> memref<80x64xf32, #tpu.memory_space<vmem_shared>>
      tpu.wait_dma2 semaphore(%run_scoped3A : memref<!tpu.dma_semaphore, #tpu.memory_space<semaphore_mem>>) src(%arg8 : memref<80x64xf32, #tpu.memory_space<vmem>>) dst(%dma_wait3A_56 : memref<80x64xf32, #tpu.memory_space<vmem_shared>>)
      tpu.yield
    }) : () -> ()
    %mul3A_15 = arith.constant 640 : i32
    %mul3A_16 = arith.muli %arg1, %mul3A_15 : i32
    %add3A_17 = arith.constant 160 : i32
    %add3A_18 = arith.addi %mul3A_16, %add3A_17 : i32
    "tpu.region"() ({
      %run_scoped3A = tpu.sem_alloc : memref<!tpu.dma_semaphore, #tpu.memory_space<semaphore_mem>>
      %dma_start3A = arith.constant 0 : i32
      %dma_start3A_51 = tpu.memref_slice %arg10[%add3A_18, %dma_start3A] : memref<10240x64xf32, #tpu.memory_space<vmem_shared>> -> memref<80x64xf32, #tpu.memory_space<vmem_shared>>
      %dma_start3A_52 = arith.constant 0 : i32
      %dma_start3A_53 = tpu.memref_slice %arg10[%add3A_18, %dma_start3A_52] : memref<10240x64xf32, #tpu.memory_space<vmem_shared>> -> memref<80x64xf32, #tpu.memory_space<vmem_shared>>
      tpu.enqueue_dma source(%arg8 : memref<80x64xf32, #tpu.memory_space<vmem>>) target(%dma_start3A_53 : memref<80x64xf32, #tpu.memory_space<vmem_shared>>) target_semaphore(%run_scoped3A : memref<!tpu.dma_semaphore, #tpu.memory_space<semaphore_mem>>)
      %dma_wait3A = arith.constant 0 : i32
      %dma_wait3A_54 = tpu.memref_slice %arg10[%add3A_18, %dma_wait3A] : memref<10240x64xf32, #tpu.memory_space<vmem_shared>> -> memref<80x64xf32, #tpu.memory_space<vmem_shared>>
      %dma_wait3A_55 = arith.constant 0 : i32
      %dma_wait3A_56 = tpu.memref_slice %arg10[%add3A_18, %dma_wait3A_55] : memref<10240x64xf32, #tpu.memory_space<vmem_shared>> -> memref<80x64xf32, #tpu.memory_space<vmem_shared>>
      tpu.wait_dma2 semaphore(%run_scoped3A : memref<!tpu.dma_semaphore, #tpu.memory_space<semaphore_mem>>) src(%arg8 : memref<80x64xf32, #tpu.memory_space<vmem>>) dst(%dma_wait3A_56 : memref<80x64xf32, #tpu.memory_space<vmem_shared>>)
      tpu.yield
    }) : () -> ()
    %mul3A_19 = arith.constant 640 : i32
    %mul3A_20 = arith.muli %arg1, %mul3A_19 : i32
    %add3A_21 = arith.constant 240 : i32
    %add3A_22 = arith.addi %mul3A_20, %add3A_21 : i32
    "tpu.region"() ({
      %run_scoped3A = tpu.sem_alloc : memref<!tpu.dma_semaphore, #tpu.memory_space<semaphore_mem>>
      %dma_start3A = arith.constant 0 : i32
      %dma_start3A_51 = tpu.memref_slice %arg10[%add3A_22, %dma_start3A] : memref<10240x64xf32, #tpu.memory_space<vmem_shared>> -> memref<80x64xf32, #tpu.memory_space<vmem_shared>>
      %dma_start3A_52 = arith.constant 0 : i32
      %dma_start3A_53 = tpu.memref_slice %arg10[%add3A_22, %dma_start3A_52] : memref<10240x64xf32, #tpu.memory_space<vmem_shared>> -> memref<80x64xf32, #tpu.memory_space<vmem_shared>>
      tpu.enqueue_dma source(%arg8 : memref<80x64xf32, #tpu.memory_space<vmem>>) target(%dma_start3A_53 : memref<80x64xf32, #tpu.memory_space<vmem_shared>>) target_semaphore(%run_scoped3A : memref<!tpu.dma_semaphore, #tpu.memory_space<semaphore_mem>>)
      %dma_wait3A = arith.constant 0 : i32
      %dma_wait3A_54 = tpu.memref_slice %arg10[%add3A_22, %dma_wait3A] : memref<10240x64xf32, #tpu.memory_space<vmem_shared>> -> memref<80x64xf32, #tpu.memory_space<vmem_shared>>
      %dma_wait3A_55 = arith.constant 0 : i32
      %dma_wait3A_56 = tpu.memref_slice %arg10[%add3A_22, %dma_wait3A_55] : memref<10240x64xf32, #tpu.memory_space<vmem_shared>> -> memref<80x64xf32, #tpu.memory_space<vmem_shared>>
      tpu.wait_dma2 semaphore(%run_scoped3A : memref<!tpu.dma_semaphore, #tpu.memory_space<semaphore_mem>>) src(%arg8 : memref<80x64xf32, #tpu.memory_space<vmem>>) dst(%dma_wait3A_56 : memref<80x64xf32, #tpu.memory_space<vmem_shared>>)
      tpu.yield
    }) : () -> ()
    %mul3A_23 = arith.constant 640 : i32
    %mul3A_24 = arith.muli %arg1, %mul3A_23 : i32
    %add3A_25 = arith.constant 320 : i32
    %add3A_26 = arith.addi %mul3A_24, %add3A_25 : i32
    "tpu.region"() ({
      %run_scoped3A = tpu.sem_alloc : memref<!tpu.dma_semaphore, #tpu.memory_space<semaphore_mem>>
      %dma_start3A = arith.constant 0 : i32
      %dma_start3A_51 = tpu.memref_slice %arg10[%add3A_26, %dma_start3A] : memref<10240x64xf32, #tpu.memory_space<vmem_shared>> -> memref<80x64xf32, #tpu.memory_space<vmem_shared>>
      %dma_start3A_52 = arith.constant 0 : i32
      %dma_start3A_53 = tpu.memref_slice %arg10[%add3A_26, %dma_start3A_52] : memref<10240x64xf32, #tpu.memory_space<vmem_shared>> -> memref<80x64xf32, #tpu.memory_space<vmem_shared>>
      tpu.enqueue_dma source(%arg8 : memref<80x64xf32, #tpu.memory_space<vmem>>) target(%dma_start3A_53 : memref<80x64xf32, #tpu.memory_space<vmem_shared>>) target_semaphore(%run_scoped3A : memref<!tpu.dma_semaphore, #tpu.memory_space<semaphore_mem>>)
      %dma_wait3A = arith.constant 0 : i32
      %dma_wait3A_54 = tpu.memref_slice %arg10[%add3A_26, %dma_wait3A] : memref<10240x64xf32, #tpu.memory_space<vmem_shared>> -> memref<80x64xf32, #tpu.memory_space<vmem_shared>>
      %dma_wait3A_55 = arith.constant 0 : i32
      %dma_wait3A_56 = tpu.memref_slice %arg10[%add3A_26, %dma_wait3A_55] : memref<10240x64xf32, #tpu.memory_space<vmem_shared>> -> memref<80x64xf32, #tpu.memory_space<vmem_shared>>
      tpu.wait_dma2 semaphore(%run_scoped3A : memref<!tpu.dma_semaphore, #tpu.memory_space<semaphore_mem>>) src(%arg8 : memref<80x64xf32, #tpu.memory_space<vmem>>) dst(%dma_wait3A_56 : memref<80x64xf32, #tpu.memory_space<vmem_shared>>)
      tpu.yield
    }) : () -> ()
    %mul3A_27 = arith.constant 640 : i32
    %mul3A_28 = arith.muli %arg1, %mul3A_27 : i32
    %add3A_29 = arith.constant 400 : i32
    %add3A_30 = arith.addi %mul3A_28, %add3A_29 : i32
    "tpu.region"() ({
      %run_scoped3A = tpu.sem_alloc : memref<!tpu.dma_semaphore, #tpu.memory_space<semaphore_mem>>
      %dma_start3A = arith.constant 0 : i32
      %dma_start3A_51 = tpu.memref_slice %arg10[%add3A_30, %dma_start3A] : memref<10240x64xf32, #tpu.memory_space<vmem_shared>> -> memref<80x64xf32, #tpu.memory_space<vmem_shared>>
      %dma_start3A_52 = arith.constant 0 : i32
      %dma_start3A_53 = tpu.memref_slice %arg10[%add3A_30, %dma_start3A_52] : memref<10240x64xf32, #tpu.memory_space<vmem_shared>> -> memref<80x64xf32, #tpu.memory_space<vmem_shared>>
      tpu.enqueue_dma source(%arg8 : memref<80x64xf32, #tpu.memory_space<vmem>>) target(%dma_start3A_53 : memref<80x64xf32, #tpu.memory_space<vmem_shared>>) target_semaphore(%run_scoped3A : memref<!tpu.dma_semaphore, #tpu.memory_space<semaphore_mem>>)
      %dma_wait3A = arith.constant 0 : i32
      %dma_wait3A_54 = tpu.memref_slice %arg10[%add3A_30, %dma_wait3A] : memref<10240x64xf32, #tpu.memory_space<vmem_shared>> -> memref<80x64xf32, #tpu.memory_space<vmem_shared>>
      %dma_wait3A_55 = arith.constant 0 : i32
      %dma_wait3A_56 = tpu.memref_slice %arg10[%add3A_30, %dma_wait3A_55] : memref<10240x64xf32, #tpu.memory_space<vmem_shared>> -> memref<80x64xf32, #tpu.memory_space<vmem_shared>>
      tpu.wait_dma2 semaphore(%run_scoped3A : memref<!tpu.dma_semaphore, #tpu.memory_space<semaphore_mem>>) src(%arg8 : memref<80x64xf32, #tpu.memory_space<vmem>>) dst(%dma_wait3A_56 : memref<80x64xf32, #tpu.memory_space<vmem_shared>>)
      tpu.yield
    }) : () -> ()
    %mul3A_31 = arith.constant 640 : i32
    %mul3A_32 = arith.muli %arg1, %mul3A_31 : i32
    %add3A_33 = arith.constant 480 : i32
    %add3A_34 = arith.addi %mul3A_32, %add3A_33 : i32
    "tpu.region"() ({
      %run_scoped3A = tpu.sem_alloc : memref<!tpu.dma_semaphore, #tpu.memory_space<semaphore_mem>>
      %dma_start3A = arith.constant 0 : i32
      %dma_start3A_51 = tpu.memref_slice %arg10[%add3A_34, %dma_start3A] : memref<10240x64xf32, #tpu.memory_space<vmem_shared>> -> memref<80x64xf32, #tpu.memory_space<vmem_shared>>
      %dma_start3A_52 = arith.constant 0 : i32
      %dma_start3A_53 = tpu.memref_slice %arg10[%add3A_34, %dma_start3A_52] : memref<10240x64xf32, #tpu.memory_space<vmem_shared>> -> memref<80x64xf32, #tpu.memory_space<vmem_shared>>
      tpu.enqueue_dma source(%arg8 : memref<80x64xf32, #tpu.memory_space<vmem>>) target(%dma_start3A_53 : memref<80x64xf32, #tpu.memory_space<vmem_shared>>) target_semaphore(%run_scoped3A : memref<!tpu.dma_semaphore, #tpu.memory_space<semaphore_mem>>)
      %dma_wait3A = arith.constant 0 : i32
      %dma_wait3A_54 = tpu.memref_slice %arg10[%add3A_34, %dma_wait3A] : memref<10240x64xf32, #tpu.memory_space<vmem_shared>> -> memref<80x64xf32, #tpu.memory_space<vmem_shared>>
      %dma_wait3A_55 = arith.constant 0 : i32
      %dma_wait3A_56 = tpu.memref_slice %arg10[%add3A_34, %dma_wait3A_55] : memref<10240x64xf32, #tpu.memory_space<vmem_shared>> -> memref<80x64xf32, #tpu.memory_space<vmem_shared>>
      tpu.wait_dma2 semaphore(%run_scoped3A : memref<!tpu.dma_semaphore, #tpu.memory_space<semaphore_mem>>) src(%arg8 : memref<80x64xf32, #tpu.memory_space<vmem>>) dst(%dma_wait3A_56 : memref<80x64xf32, #tpu.memory_space<vmem_shared>>)
      tpu.yield
    }) : () -> ()
    %mul3A_35 = arith.constant 640 : i32
    %mul3A_36 = arith.muli %arg1, %mul3A_35 : i32
    %add3A_37 = arith.constant 560 : i32
    %add3A_38 = arith.addi %mul3A_36, %add3A_37 : i32
    "tpu.region"() ({
      %run_scoped3A = tpu.sem_alloc : memref<!tpu.dma_semaphore, #tpu.memory_space<semaphore_mem>>
      %dma_start3A = arith.constant 0 : i32
      %dma_start3A_51 = tpu.memref_slice %arg10[%add3A_38, %dma_start3A] : memref<10240x64xf32, #tpu.memory_space<vmem_shared>> -> memref<80x64xf32, #tpu.memory_space<vmem_shared>>
      %dma_start3A_52 = arith.constant 0 : i32
      %dma_start3A_53 = tpu.memref_slice %arg10[%add3A_38, %dma_start3A_52] : memref<10240x64xf32, #tpu.memory_space<vmem_shared>> -> memref<80x64xf32, #tpu.memory_space<vmem_shared>>
      tpu.enqueue_dma source(%arg8 : memref<80x64xf32, #tpu.memory_space<vmem>>) target(%dma_start3A_53 : memref<80x64xf32, #tpu.memory_space<vmem_shared>>) target_semaphore(%run_scoped3A : memref<!tpu.dma_semaphore, #tpu.memory_space<semaphore_mem>>)
      %dma_wait3A = arith.constant 0 : i32
      %dma_wait3A_54 = tpu.memref_slice %arg10[%add3A_38, %dma_wait3A] : memref<10240x64xf32, #tpu.memory_space<vmem_shared>> -> memref<80x64xf32, #tpu.memory_space<vmem_shared>>
      %dma_wait3A_55 = arith.constant 0 : i32
      %dma_wait3A_56 = tpu.memref_slice %arg10[%add3A_38, %dma_wait3A_55] : memref<10240x64xf32, #tpu.memory_space<vmem_shared>> -> memref<80x64xf32, #tpu.memory_space<vmem_shared>>
      tpu.wait_dma2 semaphore(%run_scoped3A : memref<!tpu.dma_semaphore, #tpu.memory_space<semaphore_mem>>) src(%arg8 : memref<80x64xf32, #tpu.memory_space<vmem>>) dst(%dma_wait3A_56 : memref<80x64xf32, #tpu.memory_space<vmem_shared>>)
      tpu.yield
    }) : () -> ()
    %barrier3A = arith.constant 0 : index
    tpu.barrier barrier_id(%barrier3A)
    "tpu.region"() ({
      %run_scoped3A = tpu.sem_alloc : memref<!tpu.dma_semaphore, #tpu.memory_space<semaphore_mem>>
      %dma_start3A = arith.constant 0 : i32
      %dma_start3A_51 = arith.constant 0 : i32
      %dma_start3A_52 = tpu.memref_slice %arg3[%add3A, %dma_start3A, %dma_start3A_51] : memref<32x125x80xi32, #tpu.memory_space<hbm>> -> memref<1x125x80xi32, #tpu.memory_space<hbm>>
      %dma_start3A_53 = tpu.memref_squeeze %dma_start3A_52 : memref<1x125x80xi32, #tpu.memory_space<hbm>> -> memref<125x80xi32, #tpu.memory_space<hbm>>
      %dma_start3A_54 = arith.constant 0 : i32
      %dma_start3A_55 = arith.constant 0 : i32
      %dma_start3A_56 = tpu.memref_slice %arg3[%add3A, %dma_start3A_54, %dma_start3A_55] : memref<32x125x80xi32, #tpu.memory_space<hbm>> -> memref<1x125x80xi32, #tpu.memory_space<hbm>>
      %dma_start3A_57 = tpu.memref_squeeze %dma_start3A_56 : memref<1x125x80xi32, #tpu.memory_space<hbm>> -> memref<125x80xi32, #tpu.memory_space<hbm>>
      tpu.enqueue_dma source(%dma_start3A_57 : memref<125x80xi32, #tpu.memory_space<hbm>>) target(%arg6 : memref<125x80xi32, #tpu.memory_space<vmem>>) target_semaphore(%run_scoped3A : memref<!tpu.dma_semaphore, #tpu.memory_space<semaphore_mem>>)
      %dma_wait3A = arith.constant 0 : i32
      %dma_wait3A_58 = arith.constant 0 : i32
      %dma_wait3A_59 = tpu.memref_slice %arg3[%add3A, %dma_wait3A, %dma_wait3A_58] : memref<32x125x80xi32, #tpu.memory_space<hbm>> -> memref<1x125x80xi32, #tpu.memory_space<hbm>>
      %dma_wait3A_60 = tpu.memref_squeeze %dma_wait3A_59 : memref<1x125x80xi32, #tpu.memory_space<hbm>> -> memref<125x80xi32, #tpu.memory_space<hbm>>
      %dma_wait3A_61 = arith.constant 0 : i32
      %dma_wait3A_62 = arith.constant 0 : i32
      %dma_wait3A_63 = tpu.memref_slice %arg3[%add3A, %dma_wait3A_61, %dma_wait3A_62] : memref<32x125x80xi32, #tpu.memory_space<hbm>> -> memref<1x125x80xi32, #tpu.memory_space<hbm>>
      %dma_wait3A_64 = tpu.memref_squeeze %dma_wait3A_63 : memref<1x125x80xi32, #tpu.memory_space<hbm>> -> memref<125x80xi32, #tpu.memory_space<hbm>>
      tpu.wait_dma2 semaphore(%run_scoped3A : memref<!tpu.dma_semaphore, #tpu.memory_space<semaphore_mem>>) src(%dma_wait3A_64 : memref<125x80xi32, #tpu.memory_space<hbm>>) dst(%arg6 : memref<125x80xi32, #tpu.memory_space<vmem>>)
      tpu.yield
    }) : () -> ()
    "tpu.region"() ({
      %run_scoped3A = tpu.sem_alloc : memref<!tpu.dma_semaphore, #tpu.memory_space<semaphore_mem>>
      %dma_start3A = arith.constant 0 : i32
      %dma_start3A_51 = arith.constant 0 : i32
      %dma_start3A_52 = tpu.memref_slice %arg4[%add3A, %dma_start3A, %dma_start3A_51] : memref<32x125x80xi32, #tpu.memory_space<hbm>> -> memref<1x125x80xi32, #tpu.memory_space<hbm>>
      %dma_start3A_53 = tpu.memref_squeeze %dma_start3A_52 : memref<1x125x80xi32, #tpu.memory_space<hbm>> -> memref<125x80xi32, #tpu.memory_space<hbm>>
      %dma_start3A_54 = arith.constant 0 : i32
      %dma_start3A_55 = arith.constant 0 : i32
      %dma_start3A_56 = tpu.memref_slice %arg4[%add3A, %dma_start3A_54, %dma_start3A_55] : memref<32x125x80xi32, #tpu.memory_space<hbm>> -> memref<1x125x80xi32, #tpu.memory_space<hbm>>
      %dma_start3A_57 = tpu.memref_squeeze %dma_start3A_56 : memref<1x125x80xi32, #tpu.memory_space<hbm>> -> memref<125x80xi32, #tpu.memory_space<hbm>>
      tpu.enqueue_dma source(%dma_start3A_57 : memref<125x80xi32, #tpu.memory_space<hbm>>) target(%arg7 : memref<125x80xi32, #tpu.memory_space<vmem>>) target_semaphore(%run_scoped3A : memref<!tpu.dma_semaphore, #tpu.memory_space<semaphore_mem>>)
      %dma_wait3A = arith.constant 0 : i32
      %dma_wait3A_58 = arith.constant 0 : i32
      %dma_wait3A_59 = tpu.memref_slice %arg4[%add3A, %dma_wait3A, %dma_wait3A_58] : memref<32x125x80xi32, #tpu.memory_space<hbm>> -> memref<1x125x80xi32, #tpu.memory_space<hbm>>
      %dma_wait3A_60 = tpu.memref_squeeze %dma_wait3A_59 : memref<1x125x80xi32, #tpu.memory_space<hbm>> -> memref<125x80xi32, #tpu.memory_space<hbm>>
      %dma_wait3A_61 = arith.constant 0 : i32
      %dma_wait3A_62 = arith.constant 0 : i32
      %dma_wait3A_63 = tpu.memref_slice %arg4[%add3A, %dma_wait3A_61, %dma_wait3A_62] : memref<32x125x80xi32, #tpu.memory_space<hbm>> -> memref<1x125x80xi32, #tpu.memory_space<hbm>>
      %dma_wait3A_64 = tpu.memref_squeeze %dma_wait3A_63 : memref<1x125x80xi32, #tpu.memory_space<hbm>> -> memref<125x80xi32, #tpu.memory_space<hbm>>
      tpu.wait_dma2 semaphore(%run_scoped3A : memref<!tpu.dma_semaphore, #tpu.memory_space<semaphore_mem>>) src(%dma_wait3A_64 : memref<125x80xi32, #tpu.memory_space<hbm>>) dst(%arg7 : memref<125x80xi32, #tpu.memory_space<vmem>>)
      tpu.yield
    }) : () -> ()
    %scan3A_39 = arith.constant 0 : i32
    %scan3A_40 = arith.constant 0 : i32
    %scan3A_41 = arith.constant 125 : i32
    %scan3A_42 = arith.addi %scan3A_40, %scan3A_41 : i32
    %scan3A_43 = arith.constant 1 : i32
    %scan3A_44 = scf.for %scan3A_51 = %scan3A_40 to %scan3A_42 step %scan3A_43 iter_args(%scan3A_52 = %scan3A_39) -> (i32)  : i32 {
      %dma_start3A = arith.constant 0 : i32
      %dma_start3A_53 = tpu.memref_slice %arg6[%scan3A_51, %dma_start3A] : memref<125x80xi32, #tpu.memory_space<vmem>> -> memref<1x80xi32, #tpu.memory_space<vmem>>
      %dma_start3A_54 = tpu.memref_squeeze %dma_start3A_53 : memref<1x80xi32, #tpu.memory_space<vmem>> -> memref<80xi32, #tpu.memory_space<vmem>>
      %dma_start3A_55 = arith.constant 0 : i32
      %dma_start3A_56 = arith.constant 0 : i32
      %dma_start3A_57 = tpu.memref_slice %arg2[%dma_start3A_55, %dma_start3A_56] : memref<10000x64xf32, #tpu.memory_space<hbm>> -> memref<10000x64xf32, #tpu.memory_space<hbm>>
      tpu.enqueue_indirect_dma source(%dma_start3A_57 : memref<10000x64xf32, #tpu.memory_space<hbm>>) target(%arg8 : memref<80x64xf32, #tpu.memory_space<vmem>>) offsets(%dma_start3A_54 : memref<80xi32, #tpu.memory_space<vmem>>) semaphore(%arg11 : memref<!tpu.dma_semaphore, #tpu.memory_space<semaphore_mem>>)
      %dma_wait3A = arith.constant 0 : i32
      %dma_wait3A_58 = tpu.memref_slice %arg6[%scan3A_51, %dma_wait3A] : memref<125x80xi32, #tpu.memory_space<vmem>> -> memref<1x80xi32, #tpu.memory_space<vmem>>
      %dma_wait3A_59 = tpu.memref_squeeze %dma_wait3A_58 : memref<1x80xi32, #tpu.memory_space<vmem>> -> memref<80xi32, #tpu.memory_space<vmem>>
      %dma_wait3A_60 = arith.constant 0 : i32
      %dma_wait3A_61 = arith.constant 0 : i32
      %dma_wait3A_62 = tpu.memref_slice %arg2[%dma_wait3A_60, %dma_wait3A_61] : memref<10000x64xf32, #tpu.memory_space<hbm>> -> memref<10000x64xf32, #tpu.memory_space<hbm>>
      tpu.wait_indirect_dma semaphore(%arg11 : memref<!tpu.dma_semaphore, #tpu.memory_space<semaphore_mem>>) src(%dma_wait3A_62 : memref<10000x64xf32, #tpu.memory_space<hbm>>) dst(%arg8 : memref<80x64xf32, #tpu.memory_space<vmem>>)
      "tpu.region"() ({
        %run_scoped3A = tpu.sem_alloc : memref<!tpu.dma_semaphore, #tpu.memory_space<semaphore_mem>>
        %dma_start3A_64 = arith.constant 0 : i32
        %dma_start3A_65 = tpu.memref_slice %arg7[%scan3A_51, %dma_start3A_64] : memref<125x80xi32, #tpu.memory_space<vmem>> -> memref<1x80xi32, #tpu.memory_space<vmem>>
        %dma_start3A_66 = tpu.memref_squeeze %dma_start3A_65 : memref<1x80xi32, #tpu.memory_space<vmem>> -> memref<80xi32, #tpu.memory_space<vmem>>
        %dma_start3A_67 = arith.constant 0 : i32
        %dma_start3A_68 = arith.constant 0 : i32
        %dma_start3A_69 = tpu.memref_slice %arg10[%dma_start3A_67, %dma_start3A_68] : memref<10240x64xf32, #tpu.memory_space<vmem_shared>> -> memref<10240x64xf32, #tpu.memory_space<vmem_shared>>
        tpu.enqueue_indirect_dma source(%arg8 : memref<80x64xf32, #tpu.memory_space<vmem>>) target(%dma_start3A_69 : memref<10240x64xf32, #tpu.memory_space<vmem_shared>>) offsets(%dma_start3A_66 : memref<80xi32, #tpu.memory_space<vmem>>) semaphore(%run_scoped3A : memref<!tpu.dma_semaphore, #tpu.memory_space<semaphore_mem>>) {add = true}
        %dma_wait3A_70 = arith.constant 0 : i32
        %dma_wait3A_71 = tpu.memref_slice %arg7[%scan3A_51, %dma_wait3A_70] : memref<125x80xi32, #tpu.memory_space<vmem>> -> memref<1x80xi32, #tpu.memory_space<vmem>>
        %dma_wait3A_72 = tpu.memref_squeeze %dma_wait3A_71 : memref<1x80xi32, #tpu.memory_space<vmem>> -> memref<80xi32, #tpu.memory_space<vmem>>
        %dma_wait3A_73 = arith.constant 0 : i32
        %dma_wait3A_74 = arith.constant 0 : i32
        %dma_wait3A_75 = tpu.memref_slice %arg10[%dma_wait3A_73, %dma_wait3A_74] : memref<10240x64xf32, #tpu.memory_space<vmem_shared>> -> memref<10240x64xf32, #tpu.memory_space<vmem_shared>>
        tpu.wait_indirect_dma semaphore(%run_scoped3A : memref<!tpu.dma_semaphore, #tpu.memory_space<semaphore_mem>>) src(%arg8 : memref<80x64xf32, #tpu.memory_space<vmem>>) dst(%dma_wait3A_75 : memref<10240x64xf32, #tpu.memory_space<vmem_shared>>)
        tpu.yield
      }) : () -> ()
      %scan3A_63 = arith.constant 0 : i32
      scf.yield %scan3A_63 : i32
    }
    %scan3A_45 = arith.constant 125 : i32
    %barrier3A_46 = arith.constant 0 : index
    tpu.barrier barrier_id(%barrier3A_46)
    %mul3A_47 = arith.constant 640 : i32
    %mul3A_48 = arith.muli %arg1, %mul3A_47 : i32
    %mul3A_49 = arith.constant 640 : i32
    %mul3A_50 = arith.muli %arg1, %mul3A_49 : i32
    "tpu.region"() ({
      %run_scoped3A = tpu.sem_alloc : memref<!tpu.dma_semaphore, #tpu.memory_space<semaphore_mem>>
      %dma_start3A = arith.constant 0 : i32
      %dma_start3A_51 = tpu.memref_slice %arg5[%arg0, %mul3A_50, %dma_start3A] : memref<2x10240x64xf32, #tpu.memory_space<hbm>> -> memref<1x640x64xf32, #tpu.memory_space<hbm>>
      %dma_start3A_52 = tpu.memref_squeeze %dma_start3A_51 : memref<1x640x64xf32, #tpu.memory_space<hbm>> -> memref<640x64xf32, #tpu.memory_space<hbm>>
      %dma_start3A_53 = arith.constant 0 : i32
      %dma_start3A_54 = tpu.memref_slice %arg10[%mul3A_48, %dma_start3A_53] : memref<10240x64xf32, #tpu.memory_space<vmem_shared>> -> memref<640x64xf32, #tpu.memory_space<vmem_shared>>
      tpu.enqueue_dma source(%dma_start3A_54 : memref<640x64xf32, #tpu.memory_space<vmem_shared>>) target(%dma_start3A_52 : memref<640x64xf32, #tpu.memory_space<hbm>>) target_semaphore(%run_scoped3A : memref<!tpu.dma_semaphore, #tpu.memory_space<semaphore_mem>>)
      %dma_wait3A = arith.constant 0 : i32
      %dma_wait3A_55 = tpu.memref_slice %arg5[%arg0, %mul3A_50, %dma_wait3A] : memref<2x10240x64xf32, #tpu.memory_space<hbm>> -> memref<1x640x64xf32, #tpu.memory_space<hbm>>
      %dma_wait3A_56 = tpu.memref_squeeze %dma_wait3A_55 : memref<1x640x64xf32, #tpu.memory_space<hbm>> -> memref<640x64xf32, #tpu.memory_space<hbm>>
      %dma_wait3A_57 = arith.constant 0 : i32
      %dma_wait3A_58 = tpu.memref_slice %arg10[%mul3A_48, %dma_wait3A_57] : memref<10240x64xf32, #tpu.memory_space<vmem_shared>> -> memref<640x64xf32, #tpu.memory_space<vmem_shared>>
      tpu.wait_dma2 semaphore(%run_scoped3A : memref<!tpu.dma_semaphore, #tpu.memory_space<semaphore_mem>>) src(%dma_wait3A_58 : memref<640x64xf32, #tpu.memory_space<vmem_shared>>) dst(%dma_wait3A_56 : memref<640x64xf32, #tpu.memory_space<hbm>>)
      tpu.yield
    }) : () -> ()
    return
  }
}

module attributes {stable_mosaic.version = 14 : i64} {
  func.func @body(%arg0: i32, %arg1: memref<2000x128xf32, #tpu.memory_space<vmem>>, %arg2: memref<2000x1xf32, #tpu.memory_space<vmem>>, %arg3: memref<2000x1xf32, #tpu.memory_space<vmem>>, %arg4: memref<128x64xf32, #tpu.memory_space<vmem>>, %arg5: memref<2000x64xf32, #tpu.memory_space<vmem>>, %arg6: memref<2000x1xf32, #tpu.memory_space<vmem>>) attributes {dimension_semantics = [#tpu.dimension_semantics<arbitrary>], iteration_bounds = array<i64: 5>, scalar_prefetch = 0 : i64, scratch_operands = 0 : i64, tpu.core_type = #tpu.core_type<tc>, window_params = [{transform_indices = @transform_0, window_bounds = array<i64: 2000, 128>}, {transform_indices = @transform_1, window_bounds = array<i64: 2000, 1>}, {transform_indices = @transform_2, window_bounds = array<i64: 2000, 1>}, {pipeline_mode = #tpu.pipeline_mode<synchronous>, transform_indices = @transform_3, window_bounds = array<i64: 128, 64>}, {transform_indices = @transform_4, window_bounds = array<i64: 2000, 64>}, {transform_indices = @transform_5, window_bounds = array<i64: 2000, 1>}]} {
    %get3A = arith.constant 0 : index
    %get3A_0 = arith.constant 0 : index
    %get3A_1 = vector.load %arg2[%get3A, %get3A_0] : memref<2000x1xf32, #tpu.memory_space<vmem>>, vector<2000x1xf32>
    %get3A_2 = arith.constant 0 : index
    %get3A_3 = arith.constant 0 : index
    %get3A_4 = vector.load %arg3[%get3A_2, %get3A_3] : memref<2000x1xf32, #tpu.memory_space<vmem>>, vector<2000x1xf32>
    %add3A = arith.addf %get3A_1, %get3A_4 : vector<2000x1xf32>
    %add3A_5 = arith.constant 1.000000e+00 : f32
    %add3A_6 = vector.broadcast %add3A_5 : f32 to vector<2000x1xf32>
    %add3A_7 = arith.addf %add3A, %add3A_6 : vector<2000x1xf32>
    %sqrt3A = math.sqrt %add3A_7 : vector<2000x1xf32>
    %div3A = arith.constant 1.000000e+00 : f32
    %div3A_8 = vector.broadcast %div3A : f32 to vector<2000x1xf32>
    %div3A_9 = arith.divf %div3A_8, %sqrt3A : vector<2000x1xf32>
    %get3A_10 = arith.constant 0 : index
    %get3A_11 = arith.constant 0 : index
    %get3A_12 = vector.load %arg1[%get3A_10, %get3A_11] : memref<2000x128xf32, #tpu.memory_space<vmem>>, vector<2000x128xf32>
    %get3A_13 = arith.constant 0 : index
    %get3A_14 = arith.constant 0 : index
    %get3A_15 = vector.load %arg4[%get3A_13, %get3A_14] : memref<128x64xf32, #tpu.memory_space<vmem>>, vector<128x64xf32>
    %dot_general3A = arith.constant dense<0.000000e+00> : vector<2000x64xf32>
    %dot_general3A_16 = tpu.matmul %get3A_12, %get3A_15, %dot_general3A {dimension_numbers = #tpu.dot_dimension_numbers<[1], [0], [0], [1], [0, 0, 1, 1], [], []>, transpose_lhs_hint = false} : vector<2000x128xf32>, vector<128x64xf32>, vector<2000x64xf32> -> vector<2000x64xf32>
    %mul3A = vector.broadcast %div3A_9 : vector<2000x1xf32> to vector<2000x64xf32>
    %mul3A_17 = arith.mulf %dot_general3A_16, %mul3A : vector<2000x64xf32>
    %swap3A = arith.constant 0 : index
    %swap3A_18 = arith.constant 0 : index
    %swap3A_19 = vector.load %arg5[%swap3A, %swap3A_18] : memref<2000x64xf32, #tpu.memory_space<vmem>>, vector<2000x64xf32>
    tpu.vector_store %arg5[%swap3A, %swap3A_18], %mul3A_17 {strides = array<i32>} : memref<2000x64xf32, #tpu.memory_space<vmem>>, vector<2000x64xf32>,
    %swap3A_20 = arith.constant 0 : index
    %swap3A_21 = arith.constant 0 : index
    %swap3A_22 = vector.load %arg6[%swap3A_20, %swap3A_21] : memref<2000x1xf32, #tpu.memory_space<vmem>>, vector<2000x1xf32>
    tpu.vector_store %arg6[%swap3A_20, %swap3A_21], %div3A_9 {strides = array<i32>} : memref<2000x1xf32, #tpu.memory_space<vmem>>, vector<2000x1xf32>,
    return
  }
  func.func @transform_0(%arg0: i32) -> (i32, i32) {
    %c0_i32 = arith.constant 0 : i32
    %c0_i32_0 = arith.constant 0 : i32
    return %arg0, %c0_i32 : i32, i32
  }
  func.func @transform_1(%arg0: i32) -> (i32, i32) {
    %c0_i32 = arith.constant 0 : i32
    %c0_i32_0 = arith.constant 0 : i32
    return %arg0, %c0_i32 : i32, i32
  }
  func.func @transform_2(%arg0: i32) -> (i32, i32) {
    %c0_i32 = arith.constant 0 : i32
    %c0_i32_0 = arith.constant 0 : i32
    return %arg0, %c0_i32 : i32, i32
  }
  func.func @transform_3(%arg0: i32) -> (i32, i32) {
    %c0_i32 = arith.constant 0 : i32
    %c0_i32_0 = arith.constant 0 : i32
    %c0_i32_1 = arith.constant 0 : i32
    return %c0_i32, %c0_i32_0 : i32, i32
  }
  func.func @transform_4(%arg0: i32) -> (i32, i32) {
    %c0_i32 = arith.constant 0 : i32
    %c0_i32_0 = arith.constant 0 : i32
    return %arg0, %c0_i32 : i32, i32
  }
  func.func @transform_5(%arg0: i32) -> (i32, i32) {
    %c0_i32 = arith.constant 0 : i32
    %c0_i32_0 = arith.constant 0 : i32
    return %arg0, %c0_i32 : i32, i32
  }
}

module attributes {stable_mosaic.version = 14 : i64} {
  func.func @body(%arg0: i32, %arg1: memref<1x2000x64xf32, #tpu.memory_space<vmem>>, %arg2: memref<1x2000x64xf32, #tpu.memory_space<vmem>>, %arg3: memref<2000x64xf32, #tpu.memory_space<vmem>>, %arg4: memref<2000x1xf32, #tpu.memory_space<vmem>>, %arg5: memref<1x64xf32, #tpu.memory_space<vmem>>, %arg6: memref<64x32xf32, #tpu.memory_space<vmem>>, %arg7: memref<2000x32xf32, #tpu.memory_space<vmem>>) attributes {dimension_semantics = [#tpu.dimension_semantics<arbitrary>], iteration_bounds = array<i64: 5>, scalar_prefetch = 0 : i64, scratch_operands = 0 : i64, tpu.core_type = #tpu.core_type<tc>, window_params = [{transform_indices = @transform_0, window_bounds = array<i64: 1, 2000, 64>}, {transform_indices = @transform_1, window_bounds = array<i64: 1, 2000, 64>}, {transform_indices = @transform_2, window_bounds = array<i64: 2000, 64>}, {transform_indices = @transform_3, window_bounds = array<i64: 2000, 1>}, {pipeline_mode = #tpu.pipeline_mode<synchronous>, transform_indices = @transform_4, window_bounds = array<i64: 1, 64>}, {pipeline_mode = #tpu.pipeline_mode<synchronous>, transform_indices = @transform_5, window_bounds = array<i64: 64, 32>}, {transform_indices = @transform_6, window_bounds = array<i64: 2000, 32>}]} {
    %get3A = arith.constant 0 : index
    %get3A_0 = arith.constant 0 : index
    %get3A_1 = vector.load %arg4[%get3A, %get3A_0] : memref<2000x1xf32, #tpu.memory_space<vmem>>, vector<2000x1xf32>
    %get3A_2 = arith.constant 0 : index
    %get3A_3 = arith.constant 0 : index
    %get3A_4 = arith.constant 0 : index
    %get3A_5 = vector.load %arg1[%get3A_2, %get3A_3, %get3A_4] : memref<1x2000x64xf32, #tpu.memory_space<vmem>>, vector<1x2000x64xf32>
    %get3A_6 = vector.shape_cast %get3A_5 : vector<1x2000x64xf32> to vector<2000x64xf32>
    %get3A_7 = arith.constant 0 : index
    %get3A_8 = arith.constant 0 : index
    %get3A_9 = arith.constant 0 : index
    %get3A_10 = vector.load %arg2[%get3A_7, %get3A_8, %get3A_9] : memref<1x2000x64xf32, #tpu.memory_space<vmem>>, vector<1x2000x64xf32>
    %get3A_11 = vector.shape_cast %get3A_10 : vector<1x2000x64xf32> to vector<2000x64xf32>
    %add3A = arith.addf %get3A_6, %get3A_11 : vector<2000x64xf32>
    %get3A_12 = arith.constant 0 : index
    %get3A_13 = arith.constant 0 : index
    %get3A_14 = vector.load %arg3[%get3A_12, %get3A_13] : memref<2000x64xf32, #tpu.memory_space<vmem>>, vector<2000x64xf32>
    %add3A_15 = arith.addf %add3A, %get3A_14 : vector<2000x64xf32>
    %mul3A = vector.broadcast %get3A_1 : vector<2000x1xf32> to vector<2000x64xf32>
    %mul3A_16 = arith.mulf %mul3A, %add3A_15 : vector<2000x64xf32>
    %get3A_17 = arith.constant 0 : index
    %get3A_18 = arith.constant 0 : index
    %get3A_19 = vector.load %arg5[%get3A_17, %get3A_18] : memref<1x64xf32, #tpu.memory_space<vmem>>, vector<1x64xf32>
    %add3A_20 = vector.broadcast %get3A_19 : vector<1x64xf32> to vector<2000x64xf32>
    %add3A_21 = arith.addf %mul3A_16, %add3A_20 : vector<2000x64xf32>
    %max3A = arith.constant 0.000000e+00 : f32
    %max3A_22 = vector.broadcast %max3A : f32 to vector<2000x64xf32>
    %max3A_23 = arith.maximumf %add3A_21, %max3A_22 : vector<2000x64xf32>
    %get3A_24 = arith.constant 0 : index
    %get3A_25 = arith.constant 0 : index
    %get3A_26 = vector.load %arg6[%get3A_24, %get3A_25] : memref<64x32xf32, #tpu.memory_space<vmem>>, vector<64x32xf32>
    %dot_general3A = arith.constant dense<0.000000e+00> : vector<2000x32xf32>
    %dot_general3A_27 = tpu.matmul %max3A_23, %get3A_26, %dot_general3A {dimension_numbers = #tpu.dot_dimension_numbers<[1], [0], [0], [1], [0, 0, 1, 1], [], []>, transpose_lhs_hint = false} : vector<2000x64xf32>, vector<64x32xf32>, vector<2000x32xf32> -> vector<2000x32xf32>
    %mul3A_28 = vector.broadcast %get3A_1 : vector<2000x1xf32> to vector<2000x32xf32>
    %mul3A_29 = arith.mulf %mul3A_28, %dot_general3A_27 : vector<2000x32xf32>
    %swap3A = arith.constant 0 : index
    %swap3A_30 = arith.constant 0 : index
    %swap3A_31 = vector.load %arg7[%swap3A, %swap3A_30] : memref<2000x32xf32, #tpu.memory_space<vmem>>, vector<2000x32xf32>
    tpu.vector_store %arg7[%swap3A, %swap3A_30], %mul3A_29 {strides = array<i32>} : memref<2000x32xf32, #tpu.memory_space<vmem>>, vector<2000x32xf32>,
    return
  }
  func.func @transform_0(%arg0: i32) -> (i32, i32, i32) {
    %c0_i32 = arith.constant 0 : i32
    %c0_i32_0 = arith.constant 0 : i32
    %c0_i32_1 = arith.constant 0 : i32
    return %c0_i32, %arg0, %c0_i32_0 : i32, i32, i32
  }
  func.func @transform_1(%arg0: i32) -> (i32, i32, i32) {
    %c1_i32 = arith.constant 1 : i32
    %c0_i32 = arith.constant 0 : i32
    %c0_i32_0 = arith.constant 0 : i32
    return %c1_i32, %arg0, %c0_i32 : i32, i32, i32
  }
  func.func @transform_2(%arg0: i32) -> (i32, i32) {
    %c0_i32 = arith.constant 0 : i32
    %c0_i32_0 = arith.constant 0 : i32
    return %arg0, %c0_i32 : i32, i32
  }
  func.func @transform_3(%arg0: i32) -> (i32, i32) {
    %c0_i32 = arith.constant 0 : i32
    %c0_i32_0 = arith.constant 0 : i32
    return %arg0, %c0_i32 : i32, i32
  }
  func.func @transform_4(%arg0: i32) -> (i32, i32) {
    %c0_i32 = arith.constant 0 : i32
    %c0_i32_0 = arith.constant 0 : i32
    %c0_i32_1 = arith.constant 0 : i32
    return %c0_i32, %c0_i32_0 : i32, i32
  }
  func.func @transform_5(%arg0: i32) -> (i32, i32) {
    %c0_i32 = arith.constant 0 : i32
    %c0_i32_0 = arith.constant 0 : i32
    %c0_i32_1 = arith.constant 0 : i32
    return %c0_i32, %c0_i32_0 : i32, i32
  }
  func.func @transform_6(%arg0: i32) -> (i32, i32) {
    %c0_i32 = arith.constant 0 : i32
    %c0_i32_0 = arith.constant 0 : i32
    return %arg0, %c0_i32 : i32, i32
  }
}

module attributes {stable_mosaic.version = 14 : i64} {
  func.func @body(%arg0: i32, %arg1: memref<1x2000x32xf32, #tpu.memory_space<vmem>>, %arg2: memref<1x2000x32xf32, #tpu.memory_space<vmem>>, %arg3: memref<2000x32xf32, #tpu.memory_space<vmem>>, %arg4: memref<2000x1xf32, #tpu.memory_space<vmem>>, %arg5: memref<1x32xf32, #tpu.memory_space<vmem>>, %arg6: memref<32x64xf32, #tpu.memory_space<vmem>>, %arg7: memref<1x64xf32, #tpu.memory_space<vmem>>, %arg8: memref<64x128xf32, #tpu.memory_space<vmem>>, %arg9: memref<1x128xf32, #tpu.memory_space<vmem>>, %arg10: memref<2000x128xf32, #tpu.memory_space<vmem>>, %arg11: memref<2000x32xf32, #tpu.memory_space<vmem>>) attributes {dimension_semantics = [#tpu.dimension_semantics<arbitrary>], iteration_bounds = array<i64: 5>, scalar_prefetch = 0 : i64, scratch_operands = 0 : i64, tpu.core_type = #tpu.core_type<tc>, window_params = [{transform_indices = @transform_0, window_bounds = array<i64: 1, 2000, 32>}, {transform_indices = @transform_1, window_bounds = array<i64: 1, 2000, 32>}, {transform_indices = @transform_2, window_bounds = array<i64: 2000, 32>}, {transform_indices = @transform_3, window_bounds = array<i64: 2000, 1>}, {pipeline_mode = #tpu.pipeline_mode<synchronous>, transform_indices = @transform_4, window_bounds = array<i64: 1, 32>}, {pipeline_mode = #tpu.pipeline_mode<synchronous>, transform_indices = @transform_5, window_bounds = array<i64: 32, 64>}, {pipeline_mode = #tpu.pipeline_mode<synchronous>, transform_indices = @transform_6, window_bounds = array<i64: 1, 64>}, {pipeline_mode = #tpu.pipeline_mode<synchronous>, transform_indices = @transform_7, window_bounds = array<i64: 64, 128>}, {pipeline_mode = #tpu.pipeline_mode<synchronous>, transform_indices = @transform_8, window_bounds = array<i64: 1, 128>}, {transform_indices = @transform_9, window_bounds = array<i64: 2000, 128>}, {transform_indices = @transform_10, window_bounds = array<i64: 2000, 32>}]} {
    %get3A = arith.constant 0 : index
    %get3A_0 = arith.constant 0 : index
    %get3A_1 = vector.load %arg4[%get3A, %get3A_0] : memref<2000x1xf32, #tpu.memory_space<vmem>>, vector<2000x1xf32>
    %get3A_2 = arith.constant 0 : index
    %get3A_3 = arith.constant 0 : index
    %get3A_4 = arith.constant 0 : index
    %get3A_5 = vector.load %arg1[%get3A_2, %get3A_3, %get3A_4] : memref<1x2000x32xf32, #tpu.memory_space<vmem>>, vector<1x2000x32xf32>
    %get3A_6 = vector.shape_cast %get3A_5 : vector<1x2000x32xf32> to vector<2000x32xf32>
    %get3A_7 = arith.constant 0 : index
    %get3A_8 = arith.constant 0 : index
    %get3A_9 = arith.constant 0 : index
    %get3A_10 = vector.load %arg2[%get3A_7, %get3A_8, %get3A_9] : memref<1x2000x32xf32, #tpu.memory_space<vmem>>, vector<1x2000x32xf32>
    %get3A_11 = vector.shape_cast %get3A_10 : vector<1x2000x32xf32> to vector<2000x32xf32>
    %add3A = arith.addf %get3A_6, %get3A_11 : vector<2000x32xf32>
    %get3A_12 = arith.constant 0 : index
    %get3A_13 = arith.constant 0 : index
    %get3A_14 = vector.load %arg3[%get3A_12, %get3A_13] : memref<2000x32xf32, #tpu.memory_space<vmem>>, vector<2000x32xf32>
    %add3A_15 = arith.addf %add3A, %get3A_14 : vector<2000x32xf32>
    %mul3A = vector.broadcast %get3A_1 : vector<2000x1xf32> to vector<2000x32xf32>
    %mul3A_16 = arith.mulf %mul3A, %add3A_15 : vector<2000x32xf32>
    %get3A_17 = arith.constant 0 : index
    %get3A_18 = arith.constant 0 : index
    %get3A_19 = vector.load %arg5[%get3A_17, %get3A_18] : memref<1x32xf32, #tpu.memory_space<vmem>>, vector<1x32xf32>
    %add3A_20 = vector.broadcast %get3A_19 : vector<1x32xf32> to vector<2000x32xf32>
    %add3A_21 = arith.addf %mul3A_16, %add3A_20 : vector<2000x32xf32>
    %max3A = arith.constant 0.000000e+00 : f32
    %max3A_22 = vector.broadcast %max3A : f32 to vector<2000x32xf32>
    %max3A_23 = arith.maximumf %add3A_21, %max3A_22 : vector<2000x32xf32>
    %get3A_24 = arith.constant 0 : index
    %get3A_25 = arith.constant 0 : index
    %get3A_26 = vector.load %arg6[%get3A_24, %get3A_25] : memref<32x64xf32, #tpu.memory_space<vmem>>, vector<32x64xf32>
    %dot_general3A = arith.constant dense<0.000000e+00> : vector<2000x64xf32>
    %dot_general3A_27 = tpu.matmul %max3A_23, %get3A_26, %dot_general3A {dimension_numbers = #tpu.dot_dimension_numbers<[1], [0], [0], [1], [0, 0, 1, 1], [], []>, transpose_lhs_hint = false} : vector<2000x32xf32>, vector<32x64xf32>, vector<2000x64xf32> -> vector<2000x64xf32>
    %get3A_28 = arith.constant 0 : index
    %get3A_29 = arith.constant 0 : index
    %get3A_30 = vector.load %arg7[%get3A_28, %get3A_29] : memref<1x64xf32, #tpu.memory_space<vmem>>, vector<1x64xf32>
    %add3A_31 = vector.broadcast %get3A_30 : vector<1x64xf32> to vector<2000x64xf32>
    %add3A_32 = arith.addf %dot_general3A_27, %add3A_31 : vector<2000x64xf32>
    %max3A_33 = arith.constant 0.000000e+00 : f32
    %max3A_34 = vector.broadcast %max3A_33 : f32 to vector<2000x64xf32>
    %max3A_35 = arith.maximumf %add3A_32, %max3A_34 : vector<2000x64xf32>
    %get3A_36 = arith.constant 0 : index
    %get3A_37 = arith.constant 0 : index
    %get3A_38 = vector.load %arg8[%get3A_36, %get3A_37] : memref<64x128xf32, #tpu.memory_space<vmem>>, vector<64x128xf32>
    %dot_general3A_39 = arith.constant dense<0.000000e+00> : vector<2000x128xf32>
    %dot_general3A_40 = tpu.matmul %max3A_35, %get3A_38, %dot_general3A_39 {dimension_numbers = #tpu.dot_dimension_numbers<[1], [0], [0], [1], [0, 0, 1, 1], [], []>, transpose_lhs_hint = false} : vector<2000x64xf32>, vector<64x128xf32>, vector<2000x128xf32> -> vector<2000x128xf32>
    %get3A_41 = arith.constant 0 : index
    %get3A_42 = arith.constant 0 : index
    %get3A_43 = vector.load %arg9[%get3A_41, %get3A_42] : memref<1x128xf32, #tpu.memory_space<vmem>>, vector<1x128xf32>
    %add3A_44 = vector.broadcast %get3A_43 : vector<1x128xf32> to vector<2000x128xf32>
    %add3A_45 = arith.addf %dot_general3A_40, %add3A_44 : vector<2000x128xf32>
    %swap3A = arith.constant 0 : index
    %swap3A_46 = arith.constant 0 : index
    %swap3A_47 = vector.load %arg10[%swap3A, %swap3A_46] : memref<2000x128xf32, #tpu.memory_space<vmem>>, vector<2000x128xf32>
    tpu.vector_store %arg10[%swap3A, %swap3A_46], %add3A_45 {strides = array<i32>} : memref<2000x128xf32, #tpu.memory_space<vmem>>, vector<2000x128xf32>,
    %swap3A_48 = arith.constant 0 : index
    %swap3A_49 = arith.constant 0 : index
    %swap3A_50 = vector.load %arg11[%swap3A_48, %swap3A_49] : memref<2000x32xf32, #tpu.memory_space<vmem>>, vector<2000x32xf32>
    tpu.vector_store %arg11[%swap3A_48, %swap3A_49], %max3A_23 {strides = array<i32>} : memref<2000x32xf32, #tpu.memory_space<vmem>>, vector<2000x32xf32>,
    return
  }
  func.func @transform_0(%arg0: i32) -> (i32, i32, i32) {
    %c0_i32 = arith.constant 0 : i32
    %c0_i32_0 = arith.constant 0 : i32
    %c0_i32_1 = arith.constant 0 : i32
    return %c0_i32, %arg0, %c0_i32_0 : i32, i32, i32
  }
  func.func @transform_1(%arg0: i32) -> (i32, i32, i32) {
    %c1_i32 = arith.constant 1 : i32
    %c0_i32 = arith.constant 0 : i32
    %c0_i32_0 = arith.constant 0 : i32
    return %c1_i32, %arg0, %c0_i32 : i32, i32, i32
  }
  func.func @transform_2(%arg0: i32) -> (i32, i32) {
    %c0_i32 = arith.constant 0 : i32
    %c0_i32_0 = arith.constant 0 : i32
    return %arg0, %c0_i32 : i32, i32
  }
  func.func @transform_3(%arg0: i32) -> (i32, i32) {
    %c0_i32 = arith.constant 0 : i32
    %c0_i32_0 = arith.constant 0 : i32
    return %arg0, %c0_i32 : i32, i32
  }
  func.func @transform_4(%arg0: i32) -> (i32, i32) {
    %c0_i32 = arith.constant 0 : i32
    %c0_i32_0 = arith.constant 0 : i32
    %c0_i32_1 = arith.constant 0 : i32
    return %c0_i32, %c0_i32_0 : i32, i32
  }
  func.func @transform_5(%arg0: i32) -> (i32, i32) {
    %c0_i32 = arith.constant 0 : i32
    %c0_i32_0 = arith.constant 0 : i32
    %c0_i32_1 = arith.constant 0 : i32
    return %c0_i32, %c0_i32_0 : i32, i32
  }
  func.func @transform_6(%arg0: i32) -> (i32, i32) {
    %c0_i32 = arith.constant 0 : i32
    %c0_i32_0 = arith.constant 0 : i32
    %c0_i32_1 = arith.constant 0 : i32
    return %c0_i32, %c0_i32_0 : i32, i32
  }
  func.func @transform_7(%arg0: i32) -> (i32, i32) {
    %c0_i32 = arith.constant 0 : i32
    %c0_i32_0 = arith.constant 0 : i32
    %c0_i32_1 = arith.constant 0 : i32
    return %c0_i32, %c0_i32_0 : i32, i32
  }
  func.func @transform_8(%arg0: i32) -> (i32, i32) {
    %c0_i32 = arith.constant 0 : i32
    %c0_i32_0 = arith.constant 0 : i32
    %c0_i32_1 = arith.constant 0 : i32
    return %c0_i32, %c0_i32_0 : i32, i32
  }
  func.func @transform_9(%arg0: i32) -> (i32, i32) {
    %c0_i32 = arith.constant 0 : i32
    %c0_i32_0 = arith.constant 0 : i32
    return %arg0, %c0_i32 : i32, i32
  }
  func.func @transform_10(%arg0: i32) -> (i32, i32) {
    %c0_i32 = arith.constant 0 : i32
    %c0_i32_0 = arith.constant 0 : i32
    return %arg0, %c0_i32 : i32, i32
  }
}

</mosaic_0001>

<sc_bundles>
// kernel: kernel.11.cloned.1.call-start
scs
__scs_entry_jumppad:
0x0: {  	(pc) =	sbr.rel $0x88, $3  }
0x1: {  	(tag) =	ssettag $0x0;
	lr =	simm.s32 $0x1  }
0x2: {  	[smem:$0x3F97] =	sst lr;
	_ =	strace $0xD0000000  }
0x3: {  	_ = 	snop  }
0x4: {  	_ = 	snop  }
0x5: {  	_ = 	snop  }
0x6: {  	_ = 	snop  }
0x7: {  	_ = 	snop  }
__scs_overlays_trampoline_lowered:
0x8: {  	[smem:$0x3FA6] =	sst s0  }
0x9: {  	[smem:$0x3FA7] =	sst s1  }
0xa: {  	[smem:$0x3FA8] =	sst s2  }
0xb: {  	[smem:$0x3FA9] =	sst s3  }
0xc: {  	[smem:$0x3FAA] =	sst s4  }
0xd: {  	[smem:$0x3FAB] =	sst s5  }
0xe: {  	[smem:$0x3FAC] =	sst s6  }
0xf: {  	[smem:$0x3FAD] =	sst s7  }
0x10: {  	[smem:$0x3FAE] =	sst s8  }
0x11: {  	[smem:$0x3FAF] =	sst s9;
	s0 =	simm.s32 @!p0 $0x0  }
0x12: {  	s1 =	sld [smem:$0x3F95];
	s0 =	simm.s32 @p0 $0x1  }
0x13: {  	[smem:$0x3FB0] =	sst s0;
	s0 =	simm.s32 @!p1 $0x0  }
0x14: {  	s2 =	sld [smem:$0x3F94];
	s0 =	simm.s32 @p1 $0x1  }
0x15: {  	[smem:$0x3FB1] =	sst s0;
	s0 =	simm.s32 @!p2 $0x0  }
0x16: {  	s3 =	sld [smem:$0x3FDB];
	s0 =	simm.s32 @p2 $0x1  }
0x17: {  	s4 =	simm.s32 $0x1BF5;
	[smem:$0x3FB3] =	sst s0  }
0x18: {  	s0 =	sld [smem:$0x3F96];
	_ =	swait.ge [sflag:s4], $0x0  }
0x19: {  	s7 =	sld [smem:$0x3F97]  }
0x1a: {  	s8 =	sadd.s32 $0xFFFFE003, lr  }
0x1b: {  	s9 =	sadd.s32 $0xFFFFFEF7, lr;
	s5 =	simm.s32 $0xFFFFFFFF;
	p2 =	slt.u32 s8, $0xFFFFF086  }
0x1c: {  	p1 =	slt.u32 s9, $0xF7A;
	s5 =	simm.s32 @!p2 $0x0  }
0x1d: {  	s5 =	simm.s32 @p1 $0x1;
	p0 =	seq.s32 s7, s2  }
0x1e: {  	s7 =	smul.u32 @!p0 $0xF7A, s2;
	p2 =	seq.s32 @!p0 s5, $0x0  }
0x1f: {  	s9 =	smul.u32 $0xF7A, s1;
	s8 =	simm.s32 @!p0 $0x1BF5;
	p2 =	por !p2, p0  }
0x20: {  	[sflag:s8] =	ssyncset.s32 @!p0 $0xFFFFF086;
	s6 =	sadd.s32 @!p0 s3, s7;
	s7 =	simm.s32 @!p0 $0x108  }
0x21: {  	s3 =	sadd.s32 s3, s9;
	s6 =	sadd.s32 @!p0 $0x88, s6;
	s7 =	simm.s32 @p2 $0x1082  }
0x22: {  	[simem:s7], [sflag:s8] =	dma.local @!p0 [hbm:s6], $0xF7A  }
0x23: {  	s9 =	sor.u32 $0xD0000000, s2;
	s6 =	simm.s32 $0x108;
	_ =	swait.ge @!p0 [sflag:s8], $0x0  }
0x24: {  	s3 =	sadd.s32 $0x88, s3;
	s6 =	simm.s32 @!p1 $0x1082;
	[sflag:s4] =	ssyncset.s32 $0xFFFFF086  }
0x25: {  	[simem:s6], [sflag:s4] =	dma.local [hbm:s3], $0xF7A  }
0x26: {  	[smem:$0x3F97] =	sst s1;
	(tag) =	ssettag s2;
	_ =	strace s9  }
0x27: {  	s1 =	sld [smem:$0x3FA7]  }
0x28: {  	s2 =	sld [smem:$0x3FA8]  }
0x29: {  	s4 =	sld [smem:$0x3FAA]  }
0x2a: {  	p0 =	seq.s32 s5, $0x0;
	s5 =	sld [smem:$0x3FAB]  }
0x2b: {  	s6 =	sld [smem:$0x3FAC]  }
0x2c: {  	s7 =	sld [smem:$0x3FAD]  }
0x2d: {  	s3 =	simm.s32 $0x108;
	s8 =	sld [smem:$0x3FAE]  }
0x2e: {  	s3 =	simm.s32 @!p0 $0x1082;
	s9 =	sld [smem:$0x3FAF]  }
0x2f: {  	lr =	sadd.s32 s0, s3;
	s0 =	sld [smem:$0x3FA6]  }
0x30: {  	s3 =	sld [smem:$0x3FA9]  }
0x31: {  	[smem:$0x3FB2] =	sst s10  }
0x32: {  	s10 =	sld [smem:$0x3FB0];
	_ =	sdelay $0x3  }
0x33: {  	p0 =	seq.s32 s10, $0x1;
	s10 =	sld [smem:$0x3FB2];
	_ =	sdelay $0x3  }
0x34: {  	[smem:$0x3FB2] =	sst s10  }
0x35: {  	s10 =	sld [smem:$0x3FB1];
	_ =	sdelay $0x3  }
0x36: {  	p1 =	seq.s32 s10, $0x1;
	s10 =	sld [smem:$0x3FB2];
	_ =	sdelay $0x3  }
0x37: {  	[smem:$0x3FB2] =	sst s10  }
0x38: {  	s10 =	sld [smem:$0x3FB3]  }
0x39: {  	_ = 	snop;
	(pc) =	sbr.ind lr, $3  }
0x3a: {  	_ = 	snop  }
0x3b: {  	_ = 	snop  }
0x3c: {  	p2 =	seq.s32 s10, $0x1;
	s10 =	sld [smem:$0x3FB2]  }
0x3d: {  	_ =	shalt  }
0x3e: {  	_ =	shalt  }
0x3f: {  	_ =	shalt  }
0x40: {  	_ =	shalt  }
0x41: {  	_ =	shalt  }
0x42: {  	_ =	shalt  }
0x43: {  	_ =	shalt  }
0x44: {  	_ =	shalt  }
0x45: {  	_ =	shalt  }
0x46: {  	_ =	shalt  }
0x47: {  	_ =	shalt  }
0x48: {  	_ =	shalt  }
0x49: {  	_ =	shalt  }
0x4a: {  	_ =	shalt  }
0x4b: {  	_ =	shalt  }
0x4c: {  	_ =	shalt  }
0x4d: {  	_ =	shalt  }
0x4e: {  	_ =	shalt  }
0x4f: {  	_ =	shalt  }
0x50: {  	_ =	shalt  }
0x51: {  	_ =	shalt  }
0x52: {  	_ =	shalt  }
0x53: {  	_ =	shalt  }
0x54: {  	_ =	shalt  }
0x55: {  	_ =	shalt  }
0x56: {  	_ =	shalt  }
0x57: {  	_ =	shalt  }
0x58: {  	_ =	shalt  }
0x59: {  	_ =	shalt  }
0x5a: {  	_ =	shalt  }
0x5b: {  	_ =	shalt  }
0x5c: {  	_ =	shalt  }
0x5d: {  	_ =	shalt  }
0x5e: {  	_ =	shalt  }
0x5f: {  	_ =	shalt  }
0x60: {  	_ =	shalt  }
0x61: {  	_ =	shalt  }
0x62: {  	_ =	shalt  }
0x63: {  	_ =	shalt  }
0x64: {  	_ =	shalt  }
0x65: {  	_ =	shalt  }
0x66: {  	_ =	shalt  }
0x67: {  	_ =	shalt  }
0x68: {  	_ =	shalt  }
0x69: {  	_ =	shalt  }
0x6a: {  	_ =	shalt  }
0x6b: {  	_ =	shalt  }
0x6c: {  	_ =	shalt  }
0x6d: {  	_ =	shalt  }
0x6e: {  	_ =	shalt  }
0x6f: {  	_ =	shalt  }
0x70: {  	_ =	shalt  }
0x71: {  	_ =	shalt  }
0x72: {  	_ =	shalt  }
0x73: {  	_ =	shalt  }
0x74: {  	_ =	shalt  }
0x75: {  	_ =	shalt  }
0x76: {  	_ =	shalt  }
0x77: {  	_ =	shalt  }
0x78: {  	_ =	shalt  }
0x79: {  	_ =	shalt  }
0x7a: {  	_ =	shalt  }
0x7b: {  	_ =	shalt  }
0x7c: {  	_ =	shalt  }
0x7d: {  	_ =	shalt  }
0x7e: {  	_ =	shalt  }
0x7f: {  	_ =	shalt  }
0x80: {  	_ =	shalt  }
0x81: {  	_ =	shalt  }
0x82: {  	_ =	shalt  }
0x83: {  	_ =	shalt  }
0x84: {  	_ =	shalt  }
0x85: {  	_ =	shalt  }
0x86: {  	_ =	shalt  }
0x87: {  	_ =	shalt  }
.Lfunc_end0:
.L_simem_size_0:
called_computation.1_lowered:
.L_overlay_start_0:
0x88: {  	s2 =	sld [smem:$0x3FD9]  }
0x89: {  	s3 =	sld [smem:$0x3FFE];
	_ =	sdelay $0x1  }
0x8a: {  	s1 =	srdreg.scid  }
0x8b: {  	s0 =	sand.u32 $0x1, s1  }
0x8c: {  	s14 =	sshll.u32 s0, $0xA;
	s2 =	sadd.s32 s3, s2  }
0x8d: {  	s2 =	sadd.s32 s2, s14  }
0x8e: {  	[smem:$0x3FBE] =	sst s2  }
0x8f: {  	_ = 	snop  }
0x90: {  	s2 =	sld [smem:$0x3FD0];
	_ =	sdelay $0x2  }
0x91: {  	s15 =	simm.s32 $0xA;
	s4 =	simm.s32 $0x10  }
0x92: {  	[smem:s4], [sflag:s15] =	dma.local [hbm:s2], $0x1  }
0x93: {  	_ =	swait.eq [sflag:s15], $0x1  }
0x94: {  	[sflag:s15] =	ssyncset.done $0x0  }
0x95: {  	s16 =	sld [smem:$0x10];
	[sflag:s15] =	ssyncadd.s32 $0xFFFFFFFF  }
0x96: {  	s17 =	sld [smem:$0x11];
	(tm) =	ssettm $0x1  }
0x97: {  	s18 =	sld [smem:$0x3FFB];
	_ =	sdelay $0x3  }
0x98: {  	_ =	strace s18  }
0x99: {  	s4 =	sld [smem:$0x3FFC];
	_ =	sdelay $0x3  }
0x9a: {  	_ =	strace s4  }
0x9b: {  	s4 =	sld [smem:$0x3FFD];
	_ =	sdelay $0x3  }
0x9c: {  	_ =	strace s4  }
0x9d: {  	_ =	strace $0x8FFFFFFF  }
0x9e: {  	s19 =	sld [smem:$0x3FDB];
	_ =	sdelay $0x1  }
0x9f: {  	s5 =	simm.s32 $_scs_section_size  }
0xa0: {  	s6 =	simm.s32 $_size__tile_overlayer_lowered;
	s7 =	simm.s32 $_tile_overlayer_lowered  }
0xa1: {  	s22 =	simm.s32 $0x1BFF;
	s21 =	sshll.u32 s7, $0x1;
	s4 =	sadd.s32 s5, s19  }
0xa2: {  	s8 =	simm.s32 $0x0;
	s20 =	sshll.u32 s6, $0x1;
	s6 =	sadd.s32 s21, s4  }
0xa3: {  	[timem:s8], [sflag:s22] =	dma.local [hbm:s6], s20  }
0xa4: {  	_ =	swait.ge [sflag:s22], s20  }
0xa5: {  	s5 =	ssub.s32 $0x0, s20;
	[sflag:s22] =	ssyncset.done $0x0  }
0xa6: {  	[sflag:s22] =	ssyncadd.s32 s5;
	_ =	sdelay $0x1  }
0xa7: {  	s23 =	simm.s32 $0x1B8B  }
0xa8: {  	_ =	swait.ge [sflag:s23], $0x1  }
0xa9: {  	[sflag:s23] =	ssyncset.done $0x0  }
0xaa: {  	s25 =	simm.s32 $0x1B8E;
	s24 =	sld [smem:$0x3FFE];
	[sflag:s23] =	ssyncadd.s32 $0xFFFFFFFF  }
0xab: {  	s26 =	simm.s32 $execute0_lowered;
	[smem:$0x3FD2] =	sst s25  }
0xac: {  	s6 =	sshll.u32 s26, $0x1;
	_ =	strace $0x80000049;
	[dreg:$0x1] =	wrdreg $0xFFFFFFFF  }
0xad: {  	s28 =	simm.s32 $_size_execute0_lowered;
	s4 =	sadd.s32 s4, s6;
	[dreg:$0x0] =	wrdreg $0x0  }
0xae: {  	s6 =	sshll.u32 s28, $0x1;
	[dreg:$0x2] =	wrdreg s4  }
0xaf: {  	[dreg:$0x3] =	wrdreg s6  }
0xb0: {  	[dreg:$0x4] =	wrdreg $0xC0  }
0xb1: {  	_ =	task [dreg:s8], $0x5FFFF  }
0xb2: {  	[dreg:$0x1] =	wrdreg $0xFFFFFFFF  }
0xb3: {  	[dreg:$0x0] =	wrdreg $0x60  }
0xb4: {  	[dreg:$0x2] =	wrdreg s16  }
0xb5: {  	[dreg:$0x3] =	wrdreg s17  }
0xb6: {  	[dreg:$0x4] =	wrdreg s24  }
0xb7: {  	[dreg:$0x5] =	wrdreg $0x62200  }
0xb8: {  	[dreg:$0x6] =	wrdreg $0x9  }
0xb9: {  	_ =	task.clear_ibuf [dreg:s8], $0x7FFFF;
	_ =	strace $0x90000049  }
0xba: {  	s29 =	simm.s32 $0x9;
	_ =	strace $0x8000004B  }
0xbb: {  	_ =	swait.ge [sflag:s29], $0x1  }
0xbc: {  	[sflag:s29] =	ssyncadd.s32 $0xFFFFFFFF  }
0xbd: {  	_ =	strace $0x9000004B  }
0xbe: {  	_ =	sfence  }
0xbf: {  	s30 =	sld [smem:$0x0];
	_ =	sdelay $0x2  }
0xc0: {  	s31 =	sshll.u32 s1, $0xD;
	s1 =	sshrl.u32 s1, $0x2  }
0xc1: {  	s3 =	sand.u32 $0x4000, s31;
	s1 =	sadd.s32 s1, s30  }
0xc2: {  	s0 =	sor.u32 s3, s0;
	s1 =	sshll.u32 s1, $0x11  }
0xc3: {  	s0 =	sor.u32 s1, s0  }
0xc4: {  	s0 =	sadd.s32 $0x8F2B, s0  }
0xc5: {  	[sflag:s0] =	ssyncadd.remote.s32 $0x1  }
0xc6: {  	_ =	sfence.sel $0xFFFF  }
0xc7: {  	[dreg:$0x0] =	wrdreg $0xFFFFFFFF;
	(pc) =	sbr.abs _section_cstart, $3  }
0xc8: {  	[dreg:$0x1] =	wrdreg $0xFFFFFFFF  }
0xc9: {  	_ =	task.clear_ibuf [dreg:s8], $0x2FFFF;
	_ =	strace $0x9FFFFFFF  }
0xca: {  	(tm) =	ssettm $0x7FFFFFFF  }
0xcb: {  	_ =	shalt  }
tec
execute0_lowered:
.L_overlay_start_1:
0x0: {  	(tag) =	ssettag $0x1  }
0x1: {  	s1 =	rddreg [dreg:$0x0]  }
0x2: {  	s2 =	srdreg.scid;
	s13 =	rddreg [dreg:$0x1]  }
0x3: {  	s0 =	stileid.u32;
	s6 =	rddreg [dreg:$0x2]  }
0x4: {  	s3 =	rddreg [dreg:$0x3];
	s4 =	simm.s32 $0x0;
	s18 =	simm.s32 $0x2  }
0x5: {  	s19 =	simm.s32 $0x2710;
	s20 =	simm.s32 $0x50;
	s21 =	simm.s32 $0x1  }
0x6: {  	s22 =	simm.s32 $0x0;
	s5 =	sand.u32 $0x1, s2;
	s7 =	smul.u32 $0xA000, s0  }
0x7: {  	s31 =	sshll.u32 s0, $0x1;
	[smem:$0x7FF] =	sst s4;
	s9 =	smul.u32 $0x28000, s0  }
0x8: {  	s2 =	sor.u32 s5, s31;
	s8 =	smul.u32 $0xA0000, s5;
	s5 =	ssub.s32 $0x2, s5  }
0x9: {  	s14 =	smul.u32 $0x4E2, s2;
	s2 =	rddreg [dreg:$0x4];
	_ =	strace $0x8000004A  }
0xa: {  	s10 =	sshrl.u32 s5, $0x1;
	s9 =	sshrl.u32 s9, $0x2;
	s8 =	sadd.s32 s7, s8  }
0xb: {  	s17 =	ssub.s32 s5, s10;
	s12 =	sadd.s32 s9, s3;
	s5 =	sadd.s32 s7, s3  }
0xc: {  	s15 =	sadd.s32 s14, s6;
	s8 =	sshrl.u32 s8, $0x3;
	s7 =	sadd.s32 $0x2800, s12  }
0xd: {  	s9 =	sadd.s32 $0x5000, s12;
	s10 =	sadd.s32 $0x6400, s12;
	s11 =	sadd.s32 $0x7800, s12  }
0xe: {  	s13 =	sadd.s32 s13, s14;
	s16 =	sadd.s32 s8, s6;
	s6 =	sadd.s32 $0x1400, s12  }
0xf: {  	s8 =	sadd.s32 $0x3C00, s12;
	s12 =	sadd.s32 $0x8C00, s12;
	s14 =	sadd.s32 $0x2200, s15  }
0x10: {  	v0 =	vimm.f32 $0.0e+00;
	s15 =	sadd.s32 $0xC000, s16;
	s16 =	smax.u32 s17, $0x1;
	s17 =	simm.s32 $0x4E20  }
.LBB2_1:
0x11: {  	s23 =	sand.u32 $0x7F00, s4  }
0x12: {  	s24 =	sand.u32 $0x30, s4;
	s25 =	sshrl.u32 s23, $0x2  }
0x13: {  	s23 =	simm.s32 $0x40;
	s25 =	sor.u32 s24, s25;
	s24 =	simm.s32 $0x0  }
.LBB2_2:
0x14: {  	p0 =	sne.s32 s23, $0x4FC0  }
0x15: {  	[tilespmem:s25+$0x4E20] =	vst v0;
	s24 =	sadd.s32 $0x10, s24;
	s25 =	smov.u32 s23;
	s23 =	sadd.s32 $0x40, s23  }
.Ltmp0:
0x16: {  	(pc) =	sbr.rel @p0 .LBB2_2-.Ltmp0, $4  }
0x17: {  	_ = 	snop  }
0x18: {  	s25 =	sand.u32 $0x7F00, s25  }
0x19: {  	s26 =	sand.u32 $0x30, s24;
	s25 =	sshrl.u32 s25, $0x2  }
0x1a: {  	s25 =	sor.u32 s26, s25  }
0x1b: {  	[tilespmem:s25+$0x4E20] =	vst v0  }
0x1c: {  	[spmem:s5] =	stream.linear.scatter [tilespmem:s17], [sflag:$0x2], $0x1400, $0x38;
	[tilespmem:$0x10220] =	vst v63  }
0x1d: {  	_ =	swait.ge [sflag:s18], $0x1400  }
0x1e: {  	[sflag:s18] =	ssyncset.done $0x0  }
0x1f: {  	[sflag:s18] =	ssyncadd.s32 $0xFFFFEC00  }
0x20: {  	[spmem:s6] =	stream.linear.scatter [tilespmem:s17], [sflag:$0x2], $0x1400, $0x38;
	[tilespmem:$0x10220] =	vst v63  }
0x21: {  	_ =	swait.ge [sflag:s18], $0x1400  }
0x22: {  	[sflag:s18] =	ssyncset.done $0x0  }
0x23: {  	[sflag:s18] =	ssyncadd.s32 $0xFFFFEC00  }
0x24: {  	[spmem:s7] =	stream.linear.scatter [tilespmem:s17], [sflag:$0x2], $0x1400, $0x38;
	[tilespmem:$0x10220] =	vst v63  }
0x25: {  	_ =	swait.ge [sflag:s18], $0x1400  }
0x26: {  	[sflag:s18] =	ssyncset.done $0x0  }
0x27: {  	[sflag:s18] =	ssyncadd.s32 $0xFFFFEC00  }
0x28: {  	[spmem:s8] =	stream.linear.scatter [tilespmem:s17], [sflag:$0x2], $0x1400, $0x38;
	[tilespmem:$0x10220] =	vst v63  }
0x29: {  	_ =	swait.ge [sflag:s18], $0x1400  }
0x2a: {  	[sflag:s18] =	ssyncset.done $0x0  }
0x2b: {  	[sflag:s18] =	ssyncadd.s32 $0xFFFFEC00  }
0x2c: {  	[spmem:s9] =	stream.linear.scatter [tilespmem:s17], [sflag:$0x2], $0x1400, $0x38;
	[tilespmem:$0x10220] =	vst v63  }
0x2d: {  	_ =	swait.ge [sflag:s18], $0x1400  }
0x2e: {  	[sflag:s18] =	ssyncset.done $0x0  }
0x2f: {  	[sflag:s18] =	ssyncadd.s32 $0xFFFFEC00  }
0x30: {  	[spmem:s10] =	stream.linear.scatter [tilespmem:s17], [sflag:$0x2], $0x1400, $0x38;
	[tilespmem:$0x10220] =	vst v63  }
0x31: {  	_ =	swait.ge [sflag:s18], $0x1400  }
0x32: {  	[sflag:s18] =	ssyncset.done $0x0  }
0x33: {  	[sflag:s18] =	ssyncadd.s32 $0xFFFFEC00  }
0x34: {  	[spmem:s11] =	stream.linear.scatter [tilespmem:s17], [sflag:$0x2], $0x1400, $0x38;
	[tilespmem:$0x10220] =	vst v63  }
0x35: {  	_ =	swait.ge [sflag:s18], $0x1400  }
0x36: {  	[sflag:s18] =	ssyncset.done $0x0  }
0x37: {  	[sflag:s18] =	ssyncadd.s32 $0xFFFFEC00  }
0x38: {  	[spmem:s12] =	stream.linear.scatter [tilespmem:s17], [sflag:$0x2], $0x1400, $0x38;
	[tilespmem:$0x10220] =	vst v63  }
0x39: {  	_ =	swait.ge [sflag:s18], $0x1400  }
0x3a: {  	[sflag:s18] =	ssyncset.done $0x0  }
0x3b: {  	[sflag:s18] =	ssyncadd.s32 $0xFFFFEC00  }
0x3c: {  	s23 =	simm.s32 $0x0;
	[bflag:$0x0] =	sbarrier.arrive $0xFFFF  }
0x3d: {  	[tilespmem:s23], [sflag:$0x2] =	stream.linear.gather [hbm4b:s13+s23], $0x2710, $0x38;
	[tilespmem:$0x10220] =	vst v63  }
0x3e: {  	_ =	swait.ge [sflag:s18], $0x2710  }
0x3f: {  	[sflag:s18] =	ssyncset.done $0x0  }
0x40: {  	[sflag:s18] =	ssyncadd.s32 $0xFFFFD8F0  }
0x41: {  	[tilespmem:s19], [sflag:$0x2] =	stream.linear.gather [hbm4b:s14+s23], $0x2710, $0x38;
	[tilespmem:$0x10220] =	vst v63  }
0x42: {  	_ =	swait.ge [sflag:s18], $0x2710  }
0x43: {  	[sflag:s18] =	ssyncset.done $0x0  }
0x44: {  	s30 =	simm.s32 $0x0;
	[sflag:s18] =	ssyncadd.s32 $0xFFFFD8F0  }
0x45: {  	[tilespmem:s17], [sflag:$0x1] =	stream.indirect.gather [hbm4b:s1+s20], $0x40, s30, s20, $0xb8;
	[tilespmem:$0x10220] =	vst v63  }
0x46: {  	_ =	swait.ge [sflag:s21], $0x1400  }
0x47: {  	[sflag:s21] =	ssyncset.done $0x0  }
0x48: {  	s31 =	simm.s32 $0x2710;
	[sflag:s21] =	ssyncadd.s32 $0xFFFFEC00  }
0x49: {  	[spmem:s3] =	stream.indirect.scatter.add.f32 [tilespmem:s17], [sflag:$0x2], $0x40, s31, s20, $0xb8;
	[tilespmem:$0x10220] =	vst v63  }
0x4a: {  	_ =	swait.ge [sflag:s18], $0x1400  }
0x4b: {  	s24 =	simm.s32 $0x280;
	s23 =	simm.s32 $0x140;
	[sflag:s18] =	ssyncset.done $0x0  }
.LBB2_4:
0x4c: {  	s25 =	sshra.s32 s23, $0x2  }
0x4d: {  	[sflag:s18] =	ssyncadd.s32 $0xFFFFEC00;
	s23 =	smov.u32 s24;
	s26 =	sadd.s32 $0x140, s24  }
0x4e: {  	[tilespmem:s17], [sflag:$0x1] =	stream.indirect.gather [hbm4b:s1+s20], $0x40, s25, s20, $0xb8;
	[tilespmem:$0x10220] =	vst v63  }
0x4f: {  	p0 =	sne.s32 s24, $0x9B00;
	_ =	swait.ge [sflag:s21], $0x1400  }
.Ltmp1:
0x50: {  	[sflag:s21] =	ssyncset.done $0x0;
	(pc) =	sbr.rel @p0 .LBB2_4-.Ltmp1, $4  }
0x51: {  	s24 =	sadd.s32 $0x2710, s25;
	[sflag:s21] =	ssyncadd.s32 $0xFFFFEC00  }
0x52: {  	[spmem:s3] =	stream.indirect.scatter.add.f32 [tilespmem:s17], [sflag:$0x2], $0x40, s24, s20, $0xb8;
	[tilespmem:$0x10220] =	vst v63  }
0x53: {  	_ =	swait.ge [sflag:s18], $0x1400  }
0x54: {  	s24 =	smov.u32 s26;
	[sflag:s18] =	ssyncset.done $0x0  }
0x55: {  	s23 =	sshra.s32 s23, $0x2;
	[sflag:s18] =	ssyncadd.s32 $0xFFFFEC00  }
0x56: {  	[tilespmem:s17], [sflag:$0x1] =	stream.indirect.gather [hbm4b:s1+s20], $0x40, s23, s20, $0xb8;
	[tilespmem:$0x10220] =	vst v63  }
0x57: {  	_ =	swait.ge [sflag:s21], $0x1400  }
0x58: {  	[sflag:s21] =	ssyncset.done $0x0  }
0x59: {  	s23 =	sadd.s32 $0x2710, s23;
	[sflag:s21] =	ssyncadd.s32 $0xFFFFEC00  }
0x5a: {  	[spmem:s3] =	stream.indirect.scatter.add.f32 [tilespmem:s17], [sflag:$0x2], $0x40, s23, s20, $0xb8;
	[tilespmem:$0x10220] =	vst v63  }
0x5b: {  	_ =	swait.ge [sflag:s18], $0x1400  }
0x5c: {  	s31 =	sshll.u32 s0, $0x6;
	s22 =	sadd.s32 $0x1, s22;
	[sflag:s18] =	ssyncset.done $0x0  }
0x5d: {  	s24 =	sshrl.u32 s5, $0x3;
	p0 =	sne.s32 s22, s16;
	[sflag:s18] =	ssyncadd.s32 $0xFFFFEC00  }
.Ltmp2:
0x5e: {  	s23 =	sor.u32 $0x1C02, s31;
	[bflag:$0x0] =	sbarrier.arrive $0xFFFF;
	(pc) =	sbr.rel @p0 .LBB2_1-.Ltmp2, $4  }
0x5f: {  	[hbm:s15], [sflag:s23] =	dma.local [spmem:s24], $0x1400  }
0x60: {  	_ =	swait.ge [sflag:s18], $0x1400  }
0x61: {  	[sflag:s18] =	ssyncset.done $0x0  }
0x62: {  	[sflag:s18] =	ssyncadd.s32 $0xFFFFEC00  }
0x63: {  	_ =	sfence.sel $0x180000  }
0x64: {  	[bflag:$0x0] =	sbarrier.arrive $0xFFFF  }
0x65: {  	p0 =	sne.s32 s0, $0x0;
	_ =	strace $0x9000004A  }
0x66: {  	s0 =	sadd.s32 @!p0 $0x100000, s2;
	[bflag:$0x2] =	sbarrier.arrive $0xFFFF  }
0x67: {  	[sflag:s0] =	ssyncadd.tile.s32 @!p0 $0x1;
	_ =	shalt  }
.Lfunc_end2:
_tile_overlayer_lowered:
.L_overlay_start_2:
0x68: {  	(tag) =	ssettag $0x2  }
0x69: {  	s0 =	rddreg [dreg:$0x0];
	s2 =	stileid.u32  }
0x6a: {  	s1 =	rddreg [dreg:$0x1];
	p0 =	sne.s32 s2, $0x0  }
0x6b: {  	s3 =	rddreg [dreg:$0x2];
	[bflag:$0x3] =	sbarrier.arrive $0xFFFF;
	s2 =	simm.s32 @!p0 $0x1C02  }
0x6c: {  	[timem:s3], [sflag:s2] =	dma.local @!p0 [hbm:s0], s1  }
0x6d: {  	s0 =	simm.s32 @!p0 $0x2  }
0x6e: {  	_ =	swait.ge @!p0 [sflag:s0], s1  }
0x6f: {  	s1 =	ssub.s32 @!p0 $0x0, s1;
	[sflag:s0] =	ssyncset.done @!p0 $0x0  }
0x70: {  	[sflag:s0] =	ssyncadd.s32 @!p0 s1  }
0x71: {  	[bflag:$0x3] =	sbarrier.arrive $0xFFFF  }
0x72: {  	_ =	shalt  }

// kernel: kernel.14.cloned.1.call-start
scs
__scs_entry_jumppad:
0x0: {  	(pc) =	sbr.rel $0x88, $3  }
0x1: {  	(tag) =	ssettag $0x0;
	lr =	simm.s32 $0x1  }
0x2: {  	[smem:$0x3F97] =	sst lr;
	_ =	strace $0xD0000000  }
0x3: {  	_ = 	snop  }
0x4: {  	_ = 	snop  }
0x5: {  	_ = 	snop  }
0x6: {  	_ = 	snop  }
0x7: {  	_ = 	snop  }
__scs_overlays_trampoline_lowered:
0x8: {  	[smem:$0x3FA6] =	sst s0  }
0x9: {  	[smem:$0x3FA7] =	sst s1  }
0xa: {  	[smem:$0x3FA8] =	sst s2  }
0xb: {  	[smem:$0x3FA9] =	sst s3  }
0xc: {  	[smem:$0x3FAA] =	sst s4  }
0xd: {  	[smem:$0x3FAB] =	sst s5  }
0xe: {  	[smem:$0x3FAC] =	sst s6  }
0xf: {  	[smem:$0x3FAD] =	sst s7  }
0x10: {  	[smem:$0x3FAE] =	sst s8  }
0x11: {  	[smem:$0x3FAF] =	sst s9;
	s0 =	simm.s32 @!p0 $0x0  }
0x12: {  	s1 =	sld [smem:$0x3F95];
	s0 =	simm.s32 @p0 $0x1  }
0x13: {  	[smem:$0x3FB0] =	sst s0;
	s0 =	simm.s32 @!p1 $0x0  }
0x14: {  	s2 =	sld [smem:$0x3F94];
	s0 =	simm.s32 @p1 $0x1  }
0x15: {  	[smem:$0x3FB1] =	sst s0;
	s0 =	simm.s32 @!p2 $0x0  }
0x16: {  	s3 =	sld [smem:$0x3FDB];
	s0 =	simm.s32 @p2 $0x1  }
0x17: {  	s4 =	simm.s32 $0x1BF5;
	[smem:$0x3FB3] =	sst s0  }
0x18: {  	s0 =	sld [smem:$0x3F96];
	_ =	swait.ge [sflag:s4], $0x0  }
0x19: {  	s7 =	sld [smem:$0x3F97]  }
0x1a: {  	s8 =	sadd.s32 $0xFFFFE003, lr  }
0x1b: {  	s9 =	sadd.s32 $0xFFFFFEF7, lr;
	s5 =	simm.s32 $0xFFFFFFFF;
	p2 =	slt.u32 s8, $0xFFFFF086  }
0x1c: {  	p1 =	slt.u32 s9, $0xF7A;
	s5 =	simm.s32 @!p2 $0x0  }
0x1d: {  	s5 =	simm.s32 @p1 $0x1;
	p0 =	seq.s32 s7, s2  }
0x1e: {  	s7 =	smul.u32 @!p0 $0xF7A, s2;
	p2 =	seq.s32 @!p0 s5, $0x0  }
0x1f: {  	s9 =	smul.u32 $0xF7A, s1;
	s8 =	simm.s32 @!p0 $0x1BF5;
	p2 =	por !p2, p0  }
0x20: {  	[sflag:s8] =	ssyncset.s32 @!p0 $0xFFFFF086;
	s6 =	sadd.s32 @!p0 s3, s7;
	s7 =	simm.s32 @!p0 $0x108  }
0x21: {  	s3 =	sadd.s32 s3, s9;
	s6 =	sadd.s32 @!p0 $0x88, s6;
	s7 =	simm.s32 @p2 $0x1082  }
0x22: {  	[simem:s7], [sflag:s8] =	dma.local @!p0 [hbm:s6], $0xF7A  }
0x23: {  	s9 =	sor.u32 $0xD0000000, s2;
	s6 =	simm.s32 $0x108;
	_ =	swait.ge @!p0 [sflag:s8], $0x0  }
0x24: {  	s3 =	sadd.s32 $0x88, s3;
	s6 =	simm.s32 @!p1 $0x1082;
	[sflag:s4] =	ssyncset.s32 $0xFFFFF086  }
0x25: {  	[simem:s6], [sflag:s4] =	dma.local [hbm:s3], $0xF7A  }
0x26: {  	[smem:$0x3F97] =	sst s1;
	(tag) =	ssettag s2;
	_ =	strace s9  }
0x27: {  	s1 =	sld [smem:$0x3FA7]  }
0x28: {  	s2 =	sld [smem:$0x3FA8]  }
0x29: {  	s4 =	sld [smem:$0x3FAA]  }
0x2a: {  	p0 =	seq.s32 s5, $0x0;
	s5 =	sld [smem:$0x3FAB]  }
0x2b: {  	s6 =	sld [smem:$0x3FAC]  }
0x2c: {  	s7 =	sld [smem:$0x3FAD]  }
0x2d: {  	s3 =	simm.s32 $0x108;
	s8 =	sld [smem:$0x3FAE]  }
0x2e: {  	s3 =	simm.s32 @!p0 $0x1082;
	s9 =	sld [smem:$0x3FAF]  }
0x2f: {  	lr =	sadd.s32 s0, s3;
	s0 =	sld [smem:$0x3FA6]  }
0x30: {  	s3 =	sld [smem:$0x3FA9]  }
0x31: {  	[smem:$0x3FB2] =	sst s10  }
0x32: {  	s10 =	sld [smem:$0x3FB0];
	_ =	sdelay $0x3  }
0x33: {  	p0 =	seq.s32 s10, $0x1;
	s10 =	sld [smem:$0x3FB2];
	_ =	sdelay $0x3  }
0x34: {  	[smem:$0x3FB2] =	sst s10  }
0x35: {  	s10 =	sld [smem:$0x3FB1];
	_ =	sdelay $0x3  }
0x36: {  	p1 =	seq.s32 s10, $0x1;
	s10 =	sld [smem:$0x3FB2];
	_ =	sdelay $0x3  }
0x37: {  	[smem:$0x3FB2] =	sst s10  }
0x38: {  	s10 =	sld [smem:$0x3FB3]  }
0x39: {  	_ = 	snop;
	(pc) =	sbr.ind lr, $3  }
0x3a: {  	_ = 	snop  }
0x3b: {  	_ = 	snop  }
0x3c: {  	p2 =	seq.s32 s10, $0x1;
	s10 =	sld [smem:$0x3FB2]  }
0x3d: {  	_ =	shalt  }
0x3e: {  	_ =	shalt  }
0x3f: {  	_ =	shalt  }
0x40: {  	_ =	shalt  }
0x41: {  	_ =	shalt  }
0x42: {  	_ =	shalt  }
0x43: {  	_ =	shalt  }
0x44: {  	_ =	shalt  }
0x45: {  	_ =	shalt  }
0x46: {  	_ =	shalt  }
0x47: {  	_ =	shalt  }
0x48: {  	_ =	shalt  }
0x49: {  	_ =	shalt  }
0x4a: {  	_ =	shalt  }
0x4b: {  	_ =	shalt  }
0x4c: {  	_ =	shalt  }
0x4d: {  	_ =	shalt  }
0x4e: {  	_ =	shalt  }
0x4f: {  	_ =	shalt  }
0x50: {  	_ =	shalt  }
0x51: {  	_ =	shalt  }
0x52: {  	_ =	shalt  }
0x53: {  	_ =	shalt  }
0x54: {  	_ =	shalt  }
0x55: {  	_ =	shalt  }
0x56: {  	_ =	shalt  }
0x57: {  	_ =	shalt  }
0x58: {  	_ =	shalt  }
0x59: {  	_ =	shalt  }
0x5a: {  	_ =	shalt  }
0x5b: {  	_ =	shalt  }
0x5c: {  	_ =	shalt  }
0x5d: {  	_ =	shalt  }
0x5e: {  	_ =	shalt  }
0x5f: {  	_ =	shalt  }
0x60: {  	_ =	shalt  }
0x61: {  	_ =	shalt  }
0x62: {  	_ =	shalt  }
0x63: {  	_ =	shalt  }
0x64: {  	_ =	shalt  }
0x65: {  	_ =	shalt  }
0x66: {  	_ =	shalt  }
0x67: {  	_ =	shalt  }
0x68: {  	_ =	shalt  }
0x69: {  	_ =	shalt  }
0x6a: {  	_ =	shalt  }
0x6b: {  	_ =	shalt  }
0x6c: {  	_ =	shalt  }
0x6d: {  	_ =	shalt  }
0x6e: {  	_ =	shalt  }
0x6f: {  	_ =	shalt  }
0x70: {  	_ =	shalt  }
0x71: {  	_ =	shalt  }
0x72: {  	_ =	shalt  }
0x73: {  	_ =	shalt  }
0x74: {  	_ =	shalt  }
0x75: {  	_ =	shalt  }
0x76: {  	_ =	shalt  }
0x77: {  	_ =	shalt  }
0x78: {  	_ =	shalt  }
0x79: {  	_ =	shalt  }
0x7a: {  	_ =	shalt  }
0x7b: {  	_ =	shalt  }
0x7c: {  	_ =	shalt  }
0x7d: {  	_ =	shalt  }
0x7e: {  	_ =	shalt  }
0x7f: {  	_ =	shalt  }
0x80: {  	_ =	shalt  }
0x81: {  	_ =	shalt  }
0x82: {  	_ =	shalt  }
0x83: {  	_ =	shalt  }
0x84: {  	_ =	shalt  }
0x85: {  	_ =	shalt  }
0x86: {  	_ =	shalt  }
0x87: {  	_ =	shalt  }
.Lfunc_end0:
.L_simem_size_0:
called_computation.2_lowered:
.L_overlay_start_0:
0x88: {  	s2 =	sld [smem:$0x3FD9]  }
0x89: {  	s3 =	sld [smem:$0x3FFE];
	_ =	sdelay $0x1  }
0x8a: {  	s1 =	srdreg.scid  }
0x8b: {  	s0 =	sand.u32 $0x1, s1  }
0x8c: {  	s14 =	sshll.u32 s0, $0xA;
	s2 =	sadd.s32 s3, s2  }
0x8d: {  	s2 =	sadd.s32 s2, s14  }
0x8e: {  	[smem:$0x3FBE] =	sst s2  }
0x8f: {  	_ = 	snop  }
0x90: {  	s2 =	sld [smem:$0x3FD0];
	_ =	sdelay $0x2  }
0x91: {  	s15 =	simm.s32 $0xA;
	s4 =	simm.s32 $0x10  }
0x92: {  	[smem:s4], [sflag:s15] =	dma.local [hbm:s2], $0x1  }
0x93: {  	_ =	swait.eq [sflag:s15], $0x1  }
0x94: {  	[sflag:s15] =	ssyncset.done $0x0  }
0x95: {  	s16 =	sld [smem:$0x10];
	[sflag:s15] =	ssyncadd.s32 $0xFFFFFFFF  }
0x96: {  	s17 =	sld [smem:$0x11];
	(tm) =	ssettm $0x1  }
0x97: {  	s18 =	sld [smem:$0x3FFB];
	_ =	sdelay $0x3  }
0x98: {  	_ =	strace s18  }
0x99: {  	s4 =	sld [smem:$0x3FFC];
	_ =	sdelay $0x3  }
0x9a: {  	_ =	strace s4  }
0x9b: {  	s4 =	sld [smem:$0x3FFD];
	_ =	sdelay $0x3  }
0x9c: {  	_ =	strace s4  }
0x9d: {  	_ =	strace $0x8FFFFFFF  }
0x9e: {  	s19 =	sld [smem:$0x3FDB];
	_ =	sdelay $0x1  }
0x9f: {  	s5 =	simm.s32 $_scs_section_size  }
0xa0: {  	s6 =	simm.s32 $_size__tile_overlayer_lowered;
	s7 =	simm.s32 $_tile_overlayer_lowered  }
0xa1: {  	s22 =	simm.s32 $0x1BFF;
	s21 =	sshll.u32 s7, $0x1;
	s4 =	sadd.s32 s5, s19  }
0xa2: {  	s8 =	simm.s32 $0x0;
	s20 =	sshll.u32 s6, $0x1;
	s6 =	sadd.s32 s21, s4  }
0xa3: {  	[timem:s8], [sflag:s22] =	dma.local [hbm:s6], s20  }
0xa4: {  	_ =	swait.ge [sflag:s22], s20  }
0xa5: {  	s5 =	ssub.s32 $0x0, s20;
	[sflag:s22] =	ssyncset.done $0x0  }
0xa6: {  	[sflag:s22] =	ssyncadd.s32 s5;
	_ =	sdelay $0x1  }
0xa7: {  	s23 =	simm.s32 $0x1B8B  }
0xa8: {  	_ =	swait.ge [sflag:s23], $0x1  }
0xa9: {  	[sflag:s23] =	ssyncset.done $0x0  }
0xaa: {  	s25 =	simm.s32 $0x1B8E;
	s24 =	sld [smem:$0x3FFE];
	[sflag:s23] =	ssyncadd.s32 $0xFFFFFFFF  }
0xab: {  	s26 =	simm.s32 $execute0_lowered;
	[smem:$0x3FD2] =	sst s25  }
0xac: {  	s6 =	sshll.u32 s26, $0x1;
	_ =	strace $0x8000004C;
	[dreg:$0x1] =	wrdreg $0xFFFFFFFF  }
0xad: {  	s28 =	simm.s32 $_size_execute0_lowered;
	s4 =	sadd.s32 s4, s6;
	[dreg:$0x0] =	wrdreg $0x0  }
0xae: {  	s6 =	sshll.u32 s28, $0x1;
	[dreg:$0x2] =	wrdreg s4  }
0xaf: {  	[dreg:$0x3] =	wrdreg s6  }
0xb0: {  	[dreg:$0x4] =	wrdreg $0xC0  }
0xb1: {  	_ =	task [dreg:s8], $0x5FFFF  }
0xb2: {  	[dreg:$0x1] =	wrdreg $0xFFFFFFFF  }
0xb3: {  	[dreg:$0x0] =	wrdreg $0x60  }
0xb4: {  	[dreg:$0x2] =	wrdreg s24  }
0xb5: {  	[dreg:$0x3] =	wrdreg s17  }
0xb6: {  	[dreg:$0x4] =	wrdreg s16  }
0xb7: {  	[dreg:$0x5] =	wrdreg $0x58200  }
0xb8: {  	[dreg:$0x6] =	wrdreg $0x9  }
0xb9: {  	_ =	task.clear_ibuf [dreg:s8], $0x7FFFF;
	_ =	strace $0x9000004C  }
0xba: {  	s29 =	simm.s32 $0x9;
	_ =	strace $0x8000004E  }
0xbb: {  	_ =	swait.ge [sflag:s29], $0x1  }
0xbc: {  	[sflag:s29] =	ssyncadd.s32 $0xFFFFFFFF  }
0xbd: {  	_ =	strace $0x9000004E  }
0xbe: {  	_ =	sfence  }
0xbf: {  	s30 =	sld [smem:$0x0];
	_ =	sdelay $0x2  }
0xc0: {  	s31 =	sshll.u32 s1, $0xD;
	s1 =	sshrl.u32 s1, $0x2  }
0xc1: {  	s3 =	sand.u32 $0x4000, s31;
	s1 =	sadd.s32 s1, s30  }
0xc2: {  	s0 =	sor.u32 s3, s0;
	s1 =	sshll.u32 s1, $0x11  }
0xc3: {  	s0 =	sor.u32 s1, s0  }
0xc4: {  	s0 =	sadd.s32 $0x8F2B, s0  }
0xc5: {  	[sflag:s0] =	ssyncadd.remote.s32 $0x1  }
0xc6: {  	_ =	sfence.sel $0xFFFF  }
0xc7: {  	[dreg:$0x0] =	wrdreg $0xFFFFFFFF;
	(pc) =	sbr.abs _section_cstart, $3  }
0xc8: {  	[dreg:$0x1] =	wrdreg $0xFFFFFFFF  }
0xc9: {  	_ =	task.clear_ibuf [dreg:s8], $0x2FFFF;
	_ =	strace $0x9FFFFFFF  }
0xca: {  	(tm) =	ssettm $0x7FFFFFFF  }
0xcb: {  	_ =	shalt  }
tec
execute0_lowered:
.L_overlay_start_1:
0x0: {  	(tag) =	ssettag $0x1  }
0x1: {  	s5 =	rddreg [dreg:$0x0]  }
0x2: {  	s13 =	rddreg [dreg:$0x1]  }
0x3: {  	s15 =	rddreg [dreg:$0x2]  }
0x4: {  	s2 =	rddreg [dreg:$0x3]  }
0x5: {  	s0 =	rddreg [dreg:$0x4]  }
0x6: {  	s3 =	simm.s32 $0x0;
	s4 =	srdreg.scid;
	s1 =	stileid.u32  }
0x7: {  	s20 =	simm.s32 $0x50;
	s21 =	simm.s32 $0x1;
	s22 =	simm.s32 $0x0  }
0x8: {  	[smem:$0x7FF] =	sst s3;
	s7 =	sand.u32 $0x1, s4;
	s8 =	smul.u32 $0x14000, s1  }
0x9: {  	s29 =	sshll.u32 s1, $0x1;
	s4 =	sadd.s32 $0xC000, s5;
	s12 =	smul.u32 $0x5000, s1  }
0xa: {  	s6 =	sor.u32 s7, s29;
	s30 =	ssub.s32 $0x2, s7;
	s19 =	smul.u32 $0x50000, s7  }
0xb: {  	s14 =	smul.u32 $0x4E2, s6;
	s9 =	sshrl.u32 s30, $0x1;
	s8 =	sshrl.u32 s8, $0x2  }
0xc: {  	_ =	strace $0x8000004D;
	s17 =	ssub.s32 s30, s9;
	s18 =	sadd.s32 s8, s2  }
0xd: {  	s19 =	sadd.s32 s12, s19;
	s16 =	sadd.s32 s14, s5;
	s5 =	sadd.s32 s12, s2  }
0xe: {  	s6 =	sadd.s32 $0xA00, s18;
	s7 =	sadd.s32 $0x1400, s18;
	s8 =	sadd.s32 $0x1E00, s18  }
0xf: {  	s9 =	sadd.s32 $0x2800, s18;
	s10 =	sadd.s32 $0x3200, s18;
	s11 =	sadd.s32 $0x3C00, s18  }
0x10: {  	s12 =	sadd.s32 $0x4600, s18;
	s13 =	sadd.s32 s13, s14;
	s31 =	sshrl.u32 s19, $0x3  }
0x11: {  	s18 =	simm.s32 $0x2;
	s19 =	simm.s32 $0x2710;
	s14 =	sadd.s32 $0x2200, s16  }
0x12: {  	v0 =	vimm.f32 $0.0e+00;
	s15 =	sadd.s32 s15, s31;
	s16 =	smax.u32 s17, $0x1;
	s17 =	simm.s32 $0x4E20  }
.LBB2_1:
0x13: {  	s23 =	sand.u32 $0x3F80, s3  }
0x14: {  	s24 =	sand.u32 $0x10, s3;
	s25 =	sshrl.u32 s23, $0x2  }
0x15: {  	s23 =	simm.s32 $0x40;
	s25 =	sor.u32 s24, s25;
	s24 =	simm.s32 $0x0  }
.LBB2_2:
0x16: {  	p0 =	sne.s32 s23, $0x27C0  }
0x17: {  	[tilespmem:s25+$0x4E20] =	vst v0;
	s24 =	sadd.s32 $0x10, s24;
	s25 =	smov.u32 s23;
	s23 =	sadd.s32 $0x40, s23  }
.Ltmp0:
0x18: {  	(pc) =	sbr.rel @p0 .LBB2_2-.Ltmp0, $4  }
0x19: {  	_ = 	snop  }
0x1a: {  	s25 =	sand.u32 $0x3F80, s25  }
0x1b: {  	s26 =	sand.u32 $0x10, s24;
	s25 =	sshrl.u32 s25, $0x2  }
0x1c: {  	s25 =	sor.u32 s26, s25  }
0x1d: {  	[tilespmem:s25+$0x4E20] =	vst v0  }
0x1e: {  	[spmem:s5] =	stream.linear.scatter [tilespmem:s17], [sflag:$0x2], $0xA00, $0x38;
	[tilespmem:$0xA820] =	vst v63  }
0x1f: {  	_ =	swait.ge [sflag:s18], $0xA00  }
0x20: {  	[sflag:s18] =	ssyncset.done $0x0  }
0x21: {  	[sflag:s18] =	ssyncadd.s32 $0xFFFFF600  }
0x22: {  	[spmem:s6] =	stream.linear.scatter [tilespmem:s17], [sflag:$0x2], $0xA00, $0x38;
	[tilespmem:$0xA820] =	vst v63  }
0x23: {  	_ =	swait.ge [sflag:s18], $0xA00  }
0x24: {  	[sflag:s18] =	ssyncset.done $0x0  }
0x25: {  	[sflag:s18] =	ssyncadd.s32 $0xFFFFF600  }
0x26: {  	[spmem:s7] =	stream.linear.scatter [tilespmem:s17], [sflag:$0x2], $0xA00, $0x38;
	[tilespmem:$0xA820] =	vst v63  }
0x27: {  	_ =	swait.ge [sflag:s18], $0xA00  }
0x28: {  	[sflag:s18] =	ssyncset.done $0x0  }
0x29: {  	[sflag:s18] =	ssyncadd.s32 $0xFFFFF600  }
0x2a: {  	[spmem:s8] =	stream.linear.scatter [tilespmem:s17], [sflag:$0x2], $0xA00, $0x38;
	[tilespmem:$0xA820] =	vst v63  }
0x2b: {  	_ =	swait.ge [sflag:s18], $0xA00  }
0x2c: {  	[sflag:s18] =	ssyncset.done $0x0  }
0x2d: {  	[sflag:s18] =	ssyncadd.s32 $0xFFFFF600  }
0x2e: {  	[spmem:s9] =	stream.linear.scatter [tilespmem:s17], [sflag:$0x2], $0xA00, $0x38;
	[tilespmem:$0xA820] =	vst v63  }
0x2f: {  	_ =	swait.ge [sflag:s18], $0xA00  }
0x30: {  	[sflag:s18] =	ssyncset.done $0x0  }
0x31: {  	[sflag:s18] =	ssyncadd.s32 $0xFFFFF600  }
0x32: {  	[spmem:s10] =	stream.linear.scatter [tilespmem:s17], [sflag:$0x2], $0xA00, $0x38;
	[tilespmem:$0xA820] =	vst v63  }
0x33: {  	_ =	swait.ge [sflag:s18], $0xA00  }
0x34: {  	[sflag:s18] =	ssyncset.done $0x0  }
0x35: {  	[sflag:s18] =	ssyncadd.s32 $0xFFFFF600  }
0x36: {  	[spmem:s11] =	stream.linear.scatter [tilespmem:s17], [sflag:$0x2], $0xA00, $0x38;
	[tilespmem:$0xA820] =	vst v63  }
0x37: {  	_ =	swait.ge [sflag:s18], $0xA00  }
0x38: {  	[sflag:s18] =	ssyncset.done $0x0  }
0x39: {  	[sflag:s18] =	ssyncadd.s32 $0xFFFFF600  }
0x3a: {  	[spmem:s12] =	stream.linear.scatter [tilespmem:s17], [sflag:$0x2], $0xA00, $0x38;
	[tilespmem:$0xA820] =	vst v63  }
0x3b: {  	_ =	swait.ge [sflag:s18], $0xA00  }
0x3c: {  	[sflag:s18] =	ssyncset.done $0x0  }
0x3d: {  	[sflag:s18] =	ssyncadd.s32 $0xFFFFF600  }
0x3e: {  	s23 =	simm.s32 $0x0;
	[bflag:$0x0] =	sbarrier.arrive $0xFFFF  }
0x3f: {  	[tilespmem:s23], [sflag:$0x2] =	stream.linear.gather [hbm4b:s13+s23], $0x2710, $0x38;
	[tilespmem:$0xA820] =	vst v63  }
0x40: {  	_ =	swait.ge [sflag:s18], $0x2710  }
0x41: {  	[sflag:s18] =	ssyncset.done $0x0  }
0x42: {  	[sflag:s18] =	ssyncadd.s32 $0xFFFFD8F0  }
0x43: {  	[tilespmem:s19], [sflag:$0x2] =	stream.linear.gather [hbm4b:s14+s23], $0x2710, $0x38;
	[tilespmem:$0xA820] =	vst v63  }
0x44: {  	_ =	swait.ge [sflag:s18], $0x2710  }
0x45: {  	[sflag:s18] =	ssyncset.done $0x0  }
0x46: {  	s30 =	simm.s32 $0x0;
	[sflag:s18] =	ssyncadd.s32 $0xFFFFD8F0  }
0x47: {  	[tilespmem:s17], [sflag:$0x1] =	stream.indirect.gather [hbm4b:s4+s20], $0x20, s30, s20, $0xb8;
	[tilespmem:$0xA820] =	vst v63  }
0x48: {  	_ =	swait.ge [sflag:s21], $0xA00  }
0x49: {  	[sflag:s21] =	ssyncset.done $0x0  }
0x4a: {  	s31 =	simm.s32 $0x2710;
	[sflag:s21] =	ssyncadd.s32 $0xFFFFF600  }
0x4b: {  	[spmem:s2] =	stream.indirect.scatter.add.f32 [tilespmem:s17], [sflag:$0x2], $0x20, s31, s20, $0xb8;
	[tilespmem:$0xA820] =	vst v63  }
0x4c: {  	_ =	swait.ge [sflag:s18], $0xA00  }
0x4d: {  	s24 =	simm.s32 $0x280;
	s23 =	simm.s32 $0x140;
	[sflag:s18] =	ssyncset.done $0x0  }
.LBB2_4:
0x4e: {  	s25 =	sshra.s32 s23, $0x2  }
0x4f: {  	[sflag:s18] =	ssyncadd.s32 $0xFFFFF600;
	s23 =	smov.u32 s24;
	s26 =	sadd.s32 $0x140, s24  }
0x50: {  	[tilespmem:s17], [sflag:$0x1] =	stream.indirect.gather [hbm4b:s4+s20], $0x20, s25, s20, $0xb8;
	[tilespmem:$0xA820] =	vst v63  }
0x51: {  	p0 =	sne.s32 s24, $0x9B00;
	_ =	swait.ge [sflag:s21], $0xA00  }
.Ltmp1:
0x52: {  	[sflag:s21] =	ssyncset.done $0x0;
	(pc) =	sbr.rel @p0 .LBB2_4-.Ltmp1, $4  }
0x53: {  	s24 =	sadd.s32 $0x2710, s25;
	[sflag:s21] =	ssyncadd.s32 $0xFFFFF600  }
0x54: {  	[spmem:s2] =	stream.indirect.scatter.add.f32 [tilespmem:s17], [sflag:$0x2], $0x20, s24, s20, $0xb8;
	[tilespmem:$0xA820] =	vst v63  }
0x55: {  	_ =	swait.ge [sflag:s18], $0xA00  }
0x56: {  	s24 =	smov.u32 s26;
	[sflag:s18] =	ssyncset.done $0x0  }
0x57: {  	s23 =	sshra.s32 s23, $0x2;
	[sflag:s18] =	ssyncadd.s32 $0xFFFFF600  }
0x58: {  	[tilespmem:s17], [sflag:$0x1] =	stream.indirect.gather [hbm4b:s4+s20], $0x20, s23, s20, $0xb8;
	[tilespmem:$0xA820] =	vst v63  }
0x59: {  	_ =	swait.ge [sflag:s21], $0xA00  }
0x5a: {  	[sflag:s21] =	ssyncset.done $0x0  }
0x5b: {  	s23 =	sadd.s32 $0x2710, s23;
	[sflag:s21] =	ssyncadd.s32 $0xFFFFF600  }
0x5c: {  	[spmem:s2] =	stream.indirect.scatter.add.f32 [tilespmem:s17], [sflag:$0x2], $0x20, s23, s20, $0xb8;
	[tilespmem:$0xA820] =	vst v63  }
0x5d: {  	_ =	swait.ge [sflag:s18], $0xA00  }
0x5e: {  	s31 =	sshll.u32 s1, $0x6;
	s22 =	sadd.s32 $0x1, s22;
	[sflag:s18] =	ssyncset.done $0x0  }
0x5f: {  	s24 =	sshrl.u32 s5, $0x3;
	p0 =	sne.s32 s22, s16;
	[sflag:s18] =	ssyncadd.s32 $0xFFFFF600  }
.Ltmp2:
0x60: {  	s23 =	sor.u32 $0x1C02, s31;
	[bflag:$0x0] =	sbarrier.arrive $0xFFFF;
	(pc) =	sbr.rel @p0 .LBB2_1-.Ltmp2, $4  }
0x61: {  	[hbm:s15], [sflag:s23] =	dma.local [spmem:s24], $0xA00  }
0x62: {  	_ =	swait.ge [sflag:s18], $0xA00  }
0x63: {  	[sflag:s18] =	ssyncset.done $0x0  }
0x64: {  	[sflag:s18] =	ssyncadd.s32 $0xFFFFF600  }
0x65: {  	_ =	sfence.sel $0x180000  }
0x66: {  	[bflag:$0x0] =	sbarrier.arrive $0xFFFF  }
0x67: {  	p0 =	sne.s32 s1, $0x0;
	_ =	strace $0x9000004D  }
0x68: {  	s0 =	sadd.s32 @!p0 $0x100000, s0;
	[bflag:$0x2] =	sbarrier.arrive $0xFFFF  }
0x69: {  	[sflag:s0] =	ssyncadd.tile.s32 @!p0 $0x1;
	_ =	shalt  }
.Lfunc_end2:
_tile_overlayer_lowered:
.L_overlay_start_2:
0x6a: {  	(tag) =	ssettag $0x2  }
0x6b: {  	s0 =	rddreg [dreg:$0x0];
	s2 =	stileid.u32  }
0x6c: {  	s1 =	rddreg [dreg:$0x1];
	p0 =	sne.s32 s2, $0x0  }
0x6d: {  	s3 =	rddreg [dreg:$0x2];
	[bflag:$0x3] =	sbarrier.arrive $0xFFFF;
	s2 =	simm.s32 @!p0 $0x1C02  }
0x6e: {  	[timem:s3], [sflag:s2] =	dma.local @!p0 [hbm:s0], s1  }
0x6f: {  	s0 =	simm.s32 @!p0 $0x2  }
0x70: {  	_ =	swait.ge @!p0 [sflag:s0], s1  }
0x71: {  	s1 =	ssub.s32 @!p0 $0x0, s1;
	[sflag:s0] =	ssyncset.done @!p0 $0x0  }
0x72: {  	[sflag:s0] =	ssyncadd.s32 @!p0 s1  }
0x73: {  	[bflag:$0x3] =	sbarrier.arrive $0xFFFF  }
0x74: {  	_ =	shalt  }

// kernel: kernel.8.cloned.1.call-start
scs
__scs_entry_jumppad:
0x0: {  	(pc) =	sbr.rel $0x88, $3  }
0x1: {  	(tag) =	ssettag $0x0;
	lr =	simm.s32 $0x1  }
0x2: {  	[smem:$0x3F97] =	sst lr;
	_ =	strace $0xD0000000  }
0x3: {  	_ = 	snop  }
0x4: {  	_ = 	snop  }
0x5: {  	_ = 	snop  }
0x6: {  	_ = 	snop  }
0x7: {  	_ = 	snop  }
__scs_overlays_trampoline_lowered:
0x8: {  	[smem:$0x3FA6] =	sst s0  }
0x9: {  	[smem:$0x3FA7] =	sst s1  }
0xa: {  	[smem:$0x3FA8] =	sst s2  }
0xb: {  	[smem:$0x3FA9] =	sst s3  }
0xc: {  	[smem:$0x3FAA] =	sst s4  }
0xd: {  	[smem:$0x3FAB] =	sst s5  }
0xe: {  	[smem:$0x3FAC] =	sst s6  }
0xf: {  	[smem:$0x3FAD] =	sst s7  }
0x10: {  	[smem:$0x3FAE] =	sst s8  }
0x11: {  	[smem:$0x3FAF] =	sst s9;
	s0 =	simm.s32 @!p0 $0x0  }
0x12: {  	s1 =	sld [smem:$0x3F95];
	s0 =	simm.s32 @p0 $0x1  }
0x13: {  	[smem:$0x3FB0] =	sst s0;
	s0 =	simm.s32 @!p1 $0x0  }
0x14: {  	s2 =	sld [smem:$0x3F94];
	s0 =	simm.s32 @p1 $0x1  }
0x15: {  	[smem:$0x3FB1] =	sst s0;
	s0 =	simm.s32 @!p2 $0x0  }
0x16: {  	s3 =	sld [smem:$0x3FDB];
	s0 =	simm.s32 @p2 $0x1  }
0x17: {  	s4 =	simm.s32 $0x1BF5;
	[smem:$0x3FB3] =	sst s0  }
0x18: {  	s0 =	sld [smem:$0x3F96];
	_ =	swait.ge [sflag:s4], $0x0  }
0x19: {  	s7 =	sld [smem:$0x3F97]  }
0x1a: {  	s8 =	sadd.s32 $0xFFFFE003, lr  }
0x1b: {  	s9 =	sadd.s32 $0xFFFFFEF7, lr;
	s5 =	simm.s32 $0xFFFFFFFF;
	p2 =	slt.u32 s8, $0xFFFFF086  }
0x1c: {  	p1 =	slt.u32 s9, $0xF7A;
	s5 =	simm.s32 @!p2 $0x0  }
0x1d: {  	s5 =	simm.s32 @p1 $0x1;
	p0 =	seq.s32 s7, s2  }
0x1e: {  	s7 =	smul.u32 @!p0 $0xF7A, s2;
	p2 =	seq.s32 @!p0 s5, $0x0  }
0x1f: {  	s9 =	smul.u32 $0xF7A, s1;
	s8 =	simm.s32 @!p0 $0x1BF5;
	p2 =	por !p2, p0  }
0x20: {  	[sflag:s8] =	ssyncset.s32 @!p0 $0xFFFFF086;
	s6 =	sadd.s32 @!p0 s3, s7;
	s7 =	simm.s32 @!p0 $0x108  }
0x21: {  	s3 =	sadd.s32 s3, s9;
	s6 =	sadd.s32 @!p0 $0x88, s6;
	s7 =	simm.s32 @p2 $0x1082  }
0x22: {  	[simem:s7], [sflag:s8] =	dma.local @!p0 [hbm:s6], $0xF7A  }
0x23: {  	s9 =	sor.u32 $0xD0000000, s2;
	s6 =	simm.s32 $0x108;
	_ =	swait.ge @!p0 [sflag:s8], $0x0  }
0x24: {  	s3 =	sadd.s32 $0x88, s3;
	s6 =	simm.s32 @!p1 $0x1082;
	[sflag:s4] =	ssyncset.s32 $0xFFFFF086  }
0x25: {  	[simem:s6], [sflag:s4] =	dma.local [hbm:s3], $0xF7A  }
0x26: {  	[smem:$0x3F97] =	sst s1;
	(tag) =	ssettag s2;
	_ =	strace s9  }
0x27: {  	s1 =	sld [smem:$0x3FA7]  }
0x28: {  	s2 =	sld [smem:$0x3FA8]  }
0x29: {  	s4 =	sld [smem:$0x3FAA]  }
0x2a: {  	p0 =	seq.s32 s5, $0x0;
	s5 =	sld [smem:$0x3FAB]  }
0x2b: {  	s6 =	sld [smem:$0x3FAC]  }
0x2c: {  	s7 =	sld [smem:$0x3FAD]  }
0x2d: {  	s3 =	simm.s32 $0x108;
	s8 =	sld [smem:$0x3FAE]  }
0x2e: {  	s3 =	simm.s32 @!p0 $0x1082;
	s9 =	sld [smem:$0x3FAF]  }
0x2f: {  	lr =	sadd.s32 s0, s3;
	s0 =	sld [smem:$0x3FA6]  }
0x30: {  	s3 =	sld [smem:$0x3FA9]  }
0x31: {  	[smem:$0x3FB2] =	sst s10  }
0x32: {  	s10 =	sld [smem:$0x3FB0];
	_ =	sdelay $0x3  }
0x33: {  	p0 =	seq.s32 s10, $0x1;
	s10 =	sld [smem:$0x3FB2];
	_ =	sdelay $0x3  }
0x34: {  	[smem:$0x3FB2] =	sst s10  }
0x35: {  	s10 =	sld [smem:$0x3FB1];
	_ =	sdelay $0x3  }
0x36: {  	p1 =	seq.s32 s10, $0x1;
	s10 =	sld [smem:$0x3FB2];
	_ =	sdelay $0x3  }
0x37: {  	[smem:$0x3FB2] =	sst s10  }
0x38: {  	s10 =	sld [smem:$0x3FB3]  }
0x39: {  	_ = 	snop;
	(pc) =	sbr.ind lr, $3  }
0x3a: {  	_ = 	snop  }
0x3b: {  	_ = 	snop  }
0x3c: {  	p2 =	seq.s32 s10, $0x1;
	s10 =	sld [smem:$0x3FB2]  }
0x3d: {  	_ =	shalt  }
0x3e: {  	_ =	shalt  }
0x3f: {  	_ =	shalt  }
0x40: {  	_ =	shalt  }
0x41: {  	_ =	shalt  }
0x42: {  	_ =	shalt  }
0x43: {  	_ =	shalt  }
0x44: {  	_ =	shalt  }
0x45: {  	_ =	shalt  }
0x46: {  	_ =	shalt  }
0x47: {  	_ =	shalt  }
0x48: {  	_ =	shalt  }
0x49: {  	_ =	shalt  }
0x4a: {  	_ =	shalt  }
0x4b: {  	_ =	shalt  }
0x4c: {  	_ =	shalt  }
0x4d: {  	_ =	shalt  }
0x4e: {  	_ =	shalt  }
0x4f: {  	_ =	shalt  }
0x50: {  	_ =	shalt  }
0x51: {  	_ =	shalt  }
0x52: {  	_ =	shalt  }
0x53: {  	_ =	shalt  }
0x54: {  	_ =	shalt  }
0x55: {  	_ =	shalt  }
0x56: {  	_ =	shalt  }
0x57: {  	_ =	shalt  }
0x58: {  	_ =	shalt  }
0x59: {  	_ =	shalt  }
0x5a: {  	_ =	shalt  }
0x5b: {  	_ =	shalt  }
0x5c: {  	_ =	shalt  }
0x5d: {  	_ =	shalt  }
0x5e: {  	_ =	shalt  }
0x5f: {  	_ =	shalt  }
0x60: {  	_ =	shalt  }
0x61: {  	_ =	shalt  }
0x62: {  	_ =	shalt  }
0x63: {  	_ =	shalt  }
0x64: {  	_ =	shalt  }
0x65: {  	_ =	shalt  }
0x66: {  	_ =	shalt  }
0x67: {  	_ =	shalt  }
0x68: {  	_ =	shalt  }
0x69: {  	_ =	shalt  }
0x6a: {  	_ =	shalt  }
0x6b: {  	_ =	shalt  }
0x6c: {  	_ =	shalt  }
0x6d: {  	_ =	shalt  }
0x6e: {  	_ =	shalt  }
0x6f: {  	_ =	shalt  }
0x70: {  	_ =	shalt  }
0x71: {  	_ =	shalt  }
0x72: {  	_ =	shalt  }
0x73: {  	_ =	shalt  }
0x74: {  	_ =	shalt  }
0x75: {  	_ =	shalt  }
0x76: {  	_ =	shalt  }
0x77: {  	_ =	shalt  }
0x78: {  	_ =	shalt  }
0x79: {  	_ =	shalt  }
0x7a: {  	_ =	shalt  }
0x7b: {  	_ =	shalt  }
0x7c: {  	_ =	shalt  }
0x7d: {  	_ =	shalt  }
0x7e: {  	_ =	shalt  }
0x7f: {  	_ =	shalt  }
0x80: {  	_ =	shalt  }
0x81: {  	_ =	shalt  }
0x82: {  	_ =	shalt  }
0x83: {  	_ =	shalt  }
0x84: {  	_ =	shalt  }
0x85: {  	_ =	shalt  }
0x86: {  	_ =	shalt  }
0x87: {  	_ =	shalt  }
.Lfunc_end0:
.L_simem_size_0:
called_computation_lowered:
.L_overlay_start_0:
0x88: {  	s2 =	sld [smem:$0x3FD9]  }
0x89: {  	s3 =	sld [smem:$0x3FFE];
	_ =	sdelay $0x1  }
0x8a: {  	s1 =	srdreg.scid  }
0x8b: {  	s0 =	sand.u32 $0x1, s1  }
0x8c: {  	s14 =	sshll.u32 s0, $0xA;
	s2 =	sadd.s32 s3, s2  }
0x8d: {  	s2 =	sadd.s32 s2, s14  }
0x8e: {  	[smem:$0x3FBE] =	sst s2  }
0x8f: {  	_ = 	snop  }
0x90: {  	s2 =	sld [smem:$0x3FD0];
	_ =	sdelay $0x2  }
0x91: {  	s15 =	simm.s32 $0xA;
	s4 =	simm.s32 $0x10  }
0x92: {  	[smem:s4], [sflag:s15] =	dma.local [hbm:s2], $0x1  }
0x93: {  	_ =	swait.eq [sflag:s15], $0x1  }
0x94: {  	[sflag:s15] =	ssyncset.done $0x0  }
0x95: {  	[sflag:s15] =	ssyncadd.s32 $0xFFFFFFFF  }
0x96: {  	s16 =	sld [smem:$0x10];
	(tm) =	ssettm $0x1  }
0x97: {  	s17 =	sld [smem:$0x3FFB];
	_ =	sdelay $0x3  }
0x98: {  	_ =	strace s17  }
0x99: {  	s3 =	sld [smem:$0x3FFC];
	_ =	sdelay $0x3  }
0x9a: {  	_ =	strace s3  }
0x9b: {  	s3 =	sld [smem:$0x3FFD];
	_ =	sdelay $0x3  }
0x9c: {  	_ =	strace s3  }
0x9d: {  	_ =	strace $0x8FFFFFFF  }
0x9e: {  	s18 =	sld [smem:$0x3FDB];
	_ =	sdelay $0x1  }
0x9f: {  	s19 =	simm.s32 $_scs_section_size  }
0xa0: {  	s5 =	simm.s32 $_size__tile_overlayer_lowered;
	s6 =	simm.s32 $_tile_overlayer_lowered  }
0xa1: {  	s22 =	simm.s32 $0x1BFF;
	s21 =	sshll.u32 s6, $0x1;
	s3 =	sadd.s32 s19, s18  }
0xa2: {  	s7 =	simm.s32 $0x0;
	s20 =	sshll.u32 s5, $0x1;
	s5 =	sadd.s32 s21, s3  }
0xa3: {  	[timem:s7], [sflag:s22] =	dma.local [hbm:s5], s20  }
0xa4: {  	_ =	swait.ge [sflag:s22], s20  }
0xa5: {  	s4 =	ssub.s32 $0x0, s20;
	[sflag:s22] =	ssyncset.done $0x0  }
0xa6: {  	[sflag:s22] =	ssyncadd.s32 s4;
	_ =	sdelay $0x1  }
0xa7: {  	s23 =	simm.s32 $0x1B8B  }
0xa8: {  	_ =	swait.ge [sflag:s23], $0x1  }
0xa9: {  	[sflag:s23] =	ssyncset.done $0x0  }
0xaa: {  	s25 =	simm.s32 $0x1B8E;
	s24 =	sld [smem:$0x3FFE];
	[sflag:s23] =	ssyncadd.s32 $0xFFFFFFFF  }
0xab: {  	s26 =	simm.s32 $execute0_lowered;
	[smem:$0x3FD2] =	sst s25  }
0xac: {  	s5 =	sshll.u32 s26, $0x1;
	_ =	strace $0x80000046;
	[dreg:$0x1] =	wrdreg $0xFFFFFFFF  }
0xad: {  	s28 =	simm.s32 $_size_execute0_lowered;
	s3 =	sadd.s32 s3, s5;
	[dreg:$0x0] =	wrdreg $0x0  }
0xae: {  	s5 =	sshll.u32 s28, $0x1;
	[dreg:$0x2] =	wrdreg s3  }
0xaf: {  	[dreg:$0x3] =	wrdreg s5  }
0xb0: {  	[dreg:$0x4] =	wrdreg $0xC0  }
0xb1: {  	_ =	task [dreg:s7], $0x5FFFF  }
0xb2: {  	[dreg:$0x1] =	wrdreg $0xFFFFFFFF  }
0xb3: {  	[dreg:$0x0] =	wrdreg $0x60  }
0xb4: {  	[dreg:$0x2] =	wrdreg s24  }
0xb5: {  	[dreg:$0x3] =	wrdreg s16  }
0xb6: {  	[dreg:$0x4] =	wrdreg $0x27B00  }
0xb7: {  	[dreg:$0x5] =	wrdreg $0x9  }
0xb8: {  	_ =	task.clear_ibuf [dreg:s7], $0x6FFFF;
	_ =	strace $0x90000046  }
0xb9: {  	s29 =	simm.s32 $0x9;
	_ =	strace $0x80000048  }
0xba: {  	_ =	swait.ge [sflag:s29], $0x1  }
0xbb: {  	[sflag:s29] =	ssyncadd.s32 $0xFFFFFFFF  }
0xbc: {  	_ =	strace $0x90000048  }
0xbd: {  	_ =	sfence  }
0xbe: {  	s30 =	sld [smem:$0x0];
	_ =	sdelay $0x2  }
0xbf: {  	s31 =	sshll.u32 s1, $0xD;
	s1 =	sshrl.u32 s1, $0x2  }
0xc0: {  	s3 =	sand.u32 $0x4000, s31;
	s1 =	sadd.s32 s1, s30  }
0xc1: {  	s0 =	sor.u32 s3, s0;
	s1 =	sshll.u32 s1, $0x11  }
0xc2: {  	s0 =	sor.u32 s1, s0  }
0xc3: {  	s0 =	sadd.s32 $0x8F2B, s0  }
0xc4: {  	[sflag:s0] =	ssyncadd.remote.s32 $0x1  }
0xc5: {  	_ =	sfence.sel $0xFFFF  }
0xc6: {  	[dreg:$0x0] =	wrdreg $0xFFFFFFFF;
	(pc) =	sbr.abs _section_cstart, $3  }
0xc7: {  	[dreg:$0x1] =	wrdreg $0xFFFFFFFF  }
0xc8: {  	_ =	task.clear_ibuf [dreg:s7], $0x2FFFF;
	_ =	strace $0x9FFFFFFF  }
0xc9: {  	(tm) =	ssettm $0x7FFFFFFF  }
tec
execute0_lowered:
.L_overlay_start_1:
0x0: {  	(tag) =	ssettag $0x1  }
0x1: {  	s4 =	rddreg [dreg:$0x0];
	s1 =	srdreg.scid  }
0x2: {  	s0 =	stileid.u32;
	s13 =	rddreg [dreg:$0x1]  }
0x3: {  	s2 =	rddreg [dreg:$0x2];
	s3 =	simm.s32 $0x0;
	s16 =	simm.s32 $0x1  }
0x4: {  	s17 =	simm.s32 $0x50;
	s18 =	simm.s32 $0x2710;
	s21 =	simm.s32 $0x0  }
0x5: {  	s5 =	sand.u32 $0x1, s1;
	s30 =	sshll.u32 s0, $0x1;
	s1 =	rddreg [dreg:$0x3]  }
0x6: {  	[smem:$0x7FF] =	sst s3;
	s9 =	smul.u32 $0x280, s0;
	s19 =	sshll.u32 s0, $0x6  }
0x7: {  	s6 =	sor.u32 s5, s30;
	s31 =	ssub.s32 $0x2, s5;
	s10 =	smul.u32 $0x2800, s5  }
0x8: {  	_ =	strace $0x80000047;
	s6 =	smul.u32 $0x4E2, s6;
	s7 =	sshrl.u32 s31, $0x1  }
0x9: {  	s19 =	sor.u32 $0x1C01, s19;
	s14 =	ssub.s32 s31, s7;
	s11 =	sadd.s32 s9, s10  }
0xa: {  	s12 =	sadd.s32 s6, s4;
	s4 =	sadd.s32 s9, s2;
	s15 =	sshrl.u32 s11, $0x3  }
0xb: {  	s14 =	smax.u32 s14, $0x1;
	s5 =	sadd.s32 $0x50, s4;
	s6 =	sadd.s32 $0xA0, s4  }
0xc: {  	s7 =	sadd.s32 $0xF0, s4;
	s8 =	sadd.s32 $0x140, s4;
	s9 =	sadd.s32 $0x190, s4  }
0xd: {  	s10 =	sadd.s32 $0x1E0, s4;
	s11 =	sadd.s32 $0x230, s4;
	s12 =	sadd.s32 $0x2200, s12  }
0xe: {  	v0 =	vimm.f32 $1.000000000e+00;
	v1 =	vimm.f32 $0.0e+00;
	s13 =	sadd.s32 s13, s15;
	s15 =	simm.s32 $0x2760;
	s20 =	sshrl.u32 s4, $0x3  }
.LBB2_1:
0xf: {  	[tilespmem:$0x2710] =	vst v0  }
0x10: {  	[tilespmem:$0x2760] =	vst v1  }
0x11: {  	[tilespmem:$0x2720] =	vst v0  }
0x12: {  	[tilespmem:$0x2770] =	vst v1  }
0x13: {  	[tilespmem:$0x2730] =	vst v0  }
0x14: {  	[tilespmem:$0x2780] =	vst v1  }
0x15: {  	[tilespmem:$0x2740] =	vst v0  }
0x16: {  	[tilespmem:$0x2790] =	vst v1  }
0x17: {  	[tilespmem:$0x2750] =	vst v0  }
0x18: {  	[tilespmem:$0x27A0] =	vst v1  }
0x19: {  	[spmem:s4] =	stream.linear.scatter [tilespmem:s15], [sflag:$0x1], $0x50, $0x38;
	[tilespmem:$0x2A30] =	vst v63  }
0x1a: {  	_ =	swait.ge [sflag:s16], $0x50  }
0x1b: {  	[sflag:s16] =	ssyncset.done $0x0  }
0x1c: {  	[sflag:s16] =	ssyncadd.s32 $0xFFFFFFB0  }
0x1d: {  	[spmem:s5] =	stream.linear.scatter [tilespmem:s15], [sflag:$0x1], $0x50, $0x38;
	[tilespmem:$0x2A30] =	vst v63  }
0x1e: {  	_ =	swait.ge [sflag:s16], $0x50  }
0x1f: {  	[sflag:s16] =	ssyncset.done $0x0  }
0x20: {  	[sflag:s16] =	ssyncadd.s32 $0xFFFFFFB0  }
0x21: {  	[spmem:s6] =	stream.linear.scatter [tilespmem:s15], [sflag:$0x1], $0x50, $0x38;
	[tilespmem:$0x2A30] =	vst v63  }
0x22: {  	_ =	swait.ge [sflag:s16], $0x50  }
0x23: {  	[sflag:s16] =	ssyncset.done $0x0  }
0x24: {  	[sflag:s16] =	ssyncadd.s32 $0xFFFFFFB0  }
0x25: {  	[spmem:s7] =	stream.linear.scatter [tilespmem:s15], [sflag:$0x1], $0x50, $0x38;
	[tilespmem:$0x2A30] =	vst v63  }
0x26: {  	_ =	swait.ge [sflag:s16], $0x50  }
0x27: {  	[sflag:s16] =	ssyncset.done $0x0  }
0x28: {  	[sflag:s16] =	ssyncadd.s32 $0xFFFFFFB0  }
0x29: {  	[spmem:s8] =	stream.linear.scatter [tilespmem:s15], [sflag:$0x1], $0x50, $0x38;
	[tilespmem:$0x2A30] =	vst v63  }
0x2a: {  	_ =	swait.ge [sflag:s16], $0x50  }
0x2b: {  	[sflag:s16] =	ssyncset.done $0x0  }
0x2c: {  	[sflag:s16] =	ssyncadd.s32 $0xFFFFFFB0  }
0x2d: {  	[spmem:s9] =	stream.linear.scatter [tilespmem:s15], [sflag:$0x1], $0x50, $0x38;
	[tilespmem:$0x2A30] =	vst v63  }
0x2e: {  	_ =	swait.ge [sflag:s16], $0x50  }
0x2f: {  	[sflag:s16] =	ssyncset.done $0x0  }
0x30: {  	[sflag:s16] =	ssyncadd.s32 $0xFFFFFFB0  }
0x31: {  	[spmem:s10] =	stream.linear.scatter [tilespmem:s15], [sflag:$0x1], $0x50, $0x38;
	[tilespmem:$0x2A30] =	vst v63  }
0x32: {  	_ =	swait.ge [sflag:s16], $0x50  }
0x33: {  	[sflag:s16] =	ssyncset.done $0x0  }
0x34: {  	[sflag:s16] =	ssyncadd.s32 $0xFFFFFFB0  }
0x35: {  	[spmem:s11] =	stream.linear.scatter [tilespmem:s15], [sflag:$0x1], $0x50, $0x38;
	[tilespmem:$0x2A30] =	vst v63  }
0x36: {  	_ =	swait.ge [sflag:s16], $0x50  }
0x37: {  	[sflag:s16] =	ssyncset.done $0x0  }
0x38: {  	[sflag:s16] =	ssyncadd.s32 $0xFFFFFFB0  }
0x39: {  	[bflag:$0x0] =	sbarrier.arrive $0xFFFF  }
0x3a: {  	[tilespmem:s3], [sflag:$0x1] =	stream.linear.gather [hbm4b:s12+s3], $0x2710, $0x38;
	[tilespmem:$0x2A30] =	vst v63  }
0x3b: {  	_ =	swait.ge [sflag:s16], $0x2710  }
0x3c: {  	[sflag:s16] =	ssyncset.done $0x0  }
0x3d: {  	s22 =	simm.s32 $0x0;
	[sflag:s16] =	ssyncadd.s32 $0xFFFFD8F0  }
0x3e: {  	[spmem:s2] =	stream.indirect.scatter.add.f32 [tilespmem:s18], [sflag:$0x1], $0x1, s22, s17, $0xb8;
	[tilespmem:$0x2A30] =	vst v63  }
0x3f: {  	_ =	swait.ge [sflag:s16], $0x50  }
0x40: {  	s22 =	simm.s32 $0x140;
	[sflag:s16] =	ssyncset.done $0x0  }
.LBB2_2:
0x41: {  	s23 =	sshra.s32 s22, $0x2;
	[sflag:s16] =	ssyncadd.s32 $0xFFFFFFB0;
	p0 =	sne.s32 s22, $0x9B00  }
0x42: {  	[spmem:s2] =	stream.indirect.scatter.add.f32 [tilespmem:s18], [sflag:$0x1], $0x1, s23, s17, $0xb8;
	[tilespmem:$0x2A30] =	vst v63  }
.Ltmp0:
0x43: {  	_ = 	snop;
	(pc) =	sbr.rel @p0 .LBB2_2-.Ltmp0, $4  }
0x44: {  	_ = 	snop  }
0x45: {  	s22 =	sadd.s32 $0x140, s22  }
0x46: {  	_ =	swait.ge [sflag:s16], $0x50  }
0x47: {  	[sflag:s16] =	ssyncset.done $0x0  }
0x48: {  	s21 =	sadd.s32 $0x1, s21  }
0x49: {  	[sflag:s16] =	ssyncadd.s32 $0xFFFFFFB0;
	p0 =	sne.s32 s21, s14  }
.Ltmp1:
0x4a: {  	[bflag:$0x0] =	sbarrier.arrive $0xFFFF;
	(pc) =	sbr.rel @p0 .LBB2_1-.Ltmp1, $4  }
0x4b: {  	[hbm:s13], [sflag:s19] =	dma.local [spmem:s20], $0x50  }
0x4c: {  	_ =	swait.ge [sflag:s16], $0x50  }
0x4d: {  	[sflag:s16] =	ssyncset.done $0x0  }
0x4e: {  	[sflag:s16] =	ssyncadd.s32 $0xFFFFFFB0  }
0x4f: {  	_ =	sfence.sel $0x180000  }
0x50: {  	[bflag:$0x0] =	sbarrier.arrive $0xFFFF  }
0x51: {  	p0 =	sne.s32 s0, $0x0;
	_ =	strace $0x90000047  }
0x52: {  	s0 =	sadd.s32 @!p0 $0x100000, s1;
	[bflag:$0x2] =	sbarrier.arrive $0xFFFF  }
0x53: {  	[sflag:s0] =	ssyncadd.tile.s32 @!p0 $0x1;
	_ =	shalt  }
.Lfunc_end2:
_tile_overlayer_lowered:
.L_overlay_start_2:
0x54: {  	(tag) =	ssettag $0x2  }
0x55: {  	s0 =	rddreg [dreg:$0x0];
	s2 =	stileid.u32  }
0x56: {  	s1 =	rddreg [dreg:$0x1];
	p0 =	sne.s32 s2, $0x0  }
0x57: {  	s3 =	rddreg [dreg:$0x2];
	[bflag:$0x3] =	sbarrier.arrive $0xFFFF;
	s2 =	simm.s32 @!p0 $0x1C01  }
0x58: {  	[timem:s3], [sflag:s2] =	dma.local @!p0 [hbm:s0], s1  }
0x59: {  	s0 =	simm.s32 @!p0 $0x1  }
0x5a: {  	_ =	swait.ge @!p0 [sflag:s0], s1  }
0x5b: {  	s1 =	ssub.s32 @!p0 $0x0, s1;
	[sflag:s0] =	ssyncset.done @!p0 $0x0  }
0x5c: {  	[sflag:s0] =	ssyncadd.s32 @!p0 s1  }
0x5d: {  	[bflag:$0x3] =	sbarrier.arrive $0xFFFF  }
0x5e: {  	_ =	shalt  }

</sc_bundles>
